<compile_context>
chip_gen: v7x
topology: tpu7x:2x2x1
jax: 0.10.2.dev20260603
libtpu: 0.0.44.dev20260713+nightly
codegen_flags: <defaults>
</compile_context>

<pallas_src>
import functools

import jax
import jax.numpy as jnp
from jax import lax
from jax.experimental import pallas as pl
from jax.experimental.pallas import tpu as pltpu
from jax.experimental.pallas import tpu_sc as plsc

H = 128
NN = 10000
NPAD = 10240
NT = 320000
NIMG = 16
MTOK = 32
NL = 3
E2 = 2 * NT
CHW = 128
NW = 32
EPAD = 655360
EPW = EPAD // NW
NCH = EPW // CHW
RPT = NPAD // 16
NBLK = 1024
NGRID = NPAD // NBLK



def _make_segsum():
    mesh = plsc.VectorSubcoreMesh(core_axis_name="c", subcore_axis_name="s")

    @functools.partial(
        pl.kernel,
        mesh=mesh,
        out_type=jax.ShapeDtypeStruct((2, NPAD, H), jnp.float32),
        scratch_types=[
            pltpu.VMEM((1, CHW), jnp.int32),
            pltpu.VMEM((1, CHW), jnp.int32),
            pltpu.VMEM((CHW, H), jnp.float32),
            pltpu.VMEM_SHARED((NPAD, H), jnp.float32),
            pltpu.SemaphoreType.DMA,
        ],
    )
    def segsum(vals, gidx, sidx, zeros, out, gq, sq, rows, agg, sem):
        cid = lax.axis_index("c")
        sid = lax.axis_index("s")
        wid = sid * 2 + cid
        pltpu.sync_copy(zeros.at[pl.ds(sid * RPT, RPT)],
                        agg.at[pl.ds(sid * RPT, RPT)])
        plsc.subcore_barrier()

        def body(c, carry):
            pltpu.sync_copy(gidx.at[wid * NCH + c], gq)
            pltpu.sync_copy(sidx.at[wid * NCH + c], sq)
            pltpu.async_copy(vals.at[gq.at[0]], rows, sem).wait()
            pltpu.sync_copy(rows, agg.at[sq.at[0]], add=True)
            return carry

        lax.fori_loop(0, NCH, body, 0)
        plsc.subcore_barrier()
        pltpu.sync_copy(agg.at[pl.ds(sid * RPT, RPT)],
                        out.at[cid, pl.ds(sid * RPT, RPT)])

    return segsum


_segsum = _make_segsum()


def _make_rowgather():
    mesh = plsc.VectorSubcoreMesh(core_axis_name="c", subcore_axis_name="s")
    bpw = (NIMG * MTOK) // NW

    @functools.partial(
        pl.kernel,
        mesh=mesh,
        out_type=jax.ShapeDtypeStruct((NIMG * MTOK, H), jnp.float32),
        scratch_types=[
            pltpu.VMEM((bpw,), jnp.int32),
            pltpu.VMEM((bpw, H), jnp.float32),
            pltpu.SemaphoreType.DMA,
        ],
    )
    def rowgather(table, idx, out, idx_v, rows_v, sem):
        cid = lax.axis_index("c")
        sid = lax.axis_index("s")
        wid = sid * 2 + cid
        pltpu.sync_copy(idx.at[pl.ds(wid * bpw, bpw)], idx_v)
        pltpu.async_copy(table.at[idx_v], rows_v, sem).wait()
        pltpu.sync_copy(rows_v, out.at[pl.ds(wid * bpw, bpw)])

    return rowgather


_rowgather = _make_rowgather()



def _dotT(x, w):
    return lax.dot_general(x, w, (((1,), (1,)), ((), ())),
                           preferred_element_type=jnp.float32)


def _in_proj_body(nf, rf, wn, bn, wr, br, ns, rs):
    ns[...] = _dotT(nf[...], wn[...]) + bn[...]
    rs[...] = _dotT(rf[...], wr[...]) + br[...]


def _in_proj(nf, rf, wn, bn, wr, br):
    return pl.pallas_call(
        _in_proj_body,
        grid=(NGRID,),
        in_specs=[
            pl.BlockSpec((NBLK, H), lambda i: (i, 0)),
            pl.BlockSpec((NBLK, H), lambda i: (i, 0)),
            pl.BlockSpec((H, H), lambda i: (0, 0)),
            pl.BlockSpec((1, H), lambda i: (0, 0)),
            pl.BlockSpec((H, H), lambda i: (0, 0)),
            pl.BlockSpec((1, H), lambda i: (0, 0)),
        ],
        out_specs=[
            pl.BlockSpec((NBLK, H), lambda i: (i, 0)),
            pl.BlockSpec((NBLK, H), lambda i: (i, 0)),
        ],
        out_shape=[
            jax.ShapeDtypeStruct((NPAD, H), jnp.float32),
            jax.ShapeDtypeStruct((NPAD, H), jnp.float32),
        ],
    )(nf, rf, wn, bn, wr, br)


def _layer_body(ns, a, rc, w, b, out):
    agg = a[0] + a[1] + rc[0] + rc[1]
    x = ns[...]
    wf = w[...]
    h = _dotT(x, wf[:, :H]) + _dotT(agg, wf[:, H:]) + b[...]
    out[...] = x + h * jax.nn.sigmoid(h)


def _layer(ns, a, rc, w, b):
    return pl.pallas_call(
        _layer_body,
        grid=(NGRID,),
        in_specs=[
            pl.BlockSpec((NBLK, H), lambda i: (i, 0)),
            pl.BlockSpec((2, NBLK, H), lambda i: (0, i, 0)),
            pl.BlockSpec((2, NBLK, H), lambda i: (0, i, 0)),
            pl.BlockSpec((H, 2 * H), lambda i: (0, 0)),
            pl.BlockSpec((1, H), lambda i: (0, 0)),
        ],
        out_specs=pl.BlockSpec((NBLK, H), lambda i: (i, 0)),
        out_shape=jax.ShapeDtypeStruct((NPAD, H), jnp.float32),
    )(ns, a, rc, w, b)


def _final_body(ns, oim, lg, lb, gw, gb, ln, gtok, sums, cnts):
    i = pl.program_id(0)
    x = ns[...]
    m = jnp.mean(x, axis=1, keepdims=True)
    v = jnp.mean((x - m) ** 2, axis=1, keepdims=True)
    y = (x - m) * lax.rsqrt(v + 1e-5) * lg[...] + lb[...]
    ln[...] = y
    img = oim[...].reshape(1, NBLK)
    oh = (lax.broadcasted_iota(jnp.int32, (NIMG, NBLK), 0) == img
          ).astype(jnp.float32)
    bs = lax.dot_general(oh, y, (((1,), (0,)), ((), ())),
                         preferred_element_type=jnp.float32)
    bc = jnp.broadcast_to(jnp.sum(oh, axis=1, keepdims=True), (NIMG, H))

    @pl.when(i == 0)
    def _():
        sums[...] = bs
        cnts[...] = bc

    @pl.when(i > 0)
    def _():
        sums[...] += bs
        cnts[...] += bc

    @pl.when(i == NGRID - 1)
    def _():
        glob = sums[...] / jnp.maximum(cnts[...], 1.0)
        gtok[...] = _dotT(glob, gw[...]) + gb[...]


def _final(ns, oim, lg, lb, gw, gb):
    return pl.pallas_call(
        _final_body,
        grid=(NGRID,),
        in_specs=[
            pl.BlockSpec((NBLK, H), lambda i: (i, 0)),
            pl.BlockSpec((1, 1, NBLK), lambda i: (i, 0, 0)),
            pl.BlockSpec((1, H), lambda i: (0, 0)),
            pl.BlockSpec((1, H), lambda i: (0, 0)),
            pl.BlockSpec((H, H), lambda i: (0, 0)),
            pl.BlockSpec((1, H), lambda i: (0, 0)),
        ],
        out_specs=[
            pl.BlockSpec((NBLK, H), lambda i: (i, 0)),
            pl.BlockSpec((NIMG, H), lambda i: (0, 0)),
        ],
        out_shape=[
            jax.ShapeDtypeStruct((NPAD, H), jnp.float32),
            jax.ShapeDtypeStruct((NIMG, H), jnp.float32),
        ],
        scratch_shapes=[
            pltpu.VMEM((NIMG, H), jnp.float32),
            pltpu.VMEM((NIMG, H), jnp.float32),
        ],
    )(ns, oim, lg, lb, gw, gb)


def _tok_body(g, w, b, vm, out):
    out[...] = (_dotT(g[...], w[...]) + b[...]) * vm[...]


def _tok(g, w, b, vm):
    n = NIMG * MTOK
    return pl.pallas_call(
        _tok_body,
        in_specs=[
            pl.BlockSpec((n, H), lambda: (0, 0)),
            pl.BlockSpec((H, H), lambda: (0, 0)),
            pl.BlockSpec((1, H), lambda: (0, 0)),
            pl.BlockSpec((n, H), lambda: (0, 0)),
        ],
        out_specs=pl.BlockSpec((n, H), lambda: (0, 0)),
        out_shape=jax.ShapeDtypeStruct((n, H), jnp.float32),
    )(g, w, b, vm)



def kernel(node_feats, rel_feats, triples, obj_to_img, node_in_W, node_in_b,
           rel_in_W, rel_in_b, proj_W, proj_b, ln_g, ln_b, tok_W, tok_b,
           glob_W, glob_b):
    f32 = jnp.float32
    nf = jnp.pad(node_feats, ((0, NPAD - NN), (0, 0)))
    rf = jnp.pad(rel_feats, ((0, NPAD - NN), (0, 0)))

    subj = triples[:, 0].astype(jnp.int32)
    rel = triples[:, 1].astype(jnp.int32)
    obj = triples[:, 2].astype(jnp.int32)
    npadn = EPAD - E2
    ar = jnp.arange(npadn, dtype=jnp.int32)
    pad_g = ar % NN
    pad_s = NN + (ar % (NPAD - NN))
    src2 = jnp.concatenate([subj, obj, pad_g]).reshape(EPAD // CHW, 1, CHW)
    dst2 = jnp.concatenate([obj, subj, pad_s]).reshape(EPAD // CHW, 1, CHW)
    rel2 = jnp.concatenate([rel, rel, pad_g]).reshape(EPAD // CHW, 1, CHW)
    zeros = jnp.zeros((NPAD, H), f32)

    ns, rs = _in_proj(nf, rf, node_in_W, node_in_b.reshape(1, H),
                      rel_in_W, rel_in_b.reshape(1, H))
    rc = _segsum(rs, rel2, dst2, zeros)
    for l in range(NL):
        a = _segsum(ns, src2, dst2, zeros)
        ns = _layer(ns, a, rc, proj_W[l], proj_b[l].reshape(1, H))

    oim = jnp.pad(obj_to_img.astype(jnp.int32), (0, NPAD - NN),
                  constant_values=NIMG).reshape(NGRID, 1, NBLK)
    ln, gtok = _final(ns, oim, ln_g.reshape(1, H), ln_b.reshape(1, H),
                      glob_W, glob_b.reshape(1, H))

    starts17 = jnp.searchsorted(obj_to_img, jnp.arange(NIMG + 1)).astype(jnp.int32)
    starts = starts17[:NIMG]
    counts = starts17[1:] - starts
    row_idx = jnp.minimum(starts[:, None] + jnp.arange(MTOK, dtype=jnp.int32)[None, :],
                          NN - 1)
    valid = (jnp.arange(MTOK, dtype=jnp.int32)[None, :] < counts[:, None])

    g = _rowgather(ln, row_idx.reshape(NIMG * MTOK))
    vm = jnp.broadcast_to(valid.reshape(NIMG * MTOK, 1).astype(f32),
                          (NIMG * MTOK, H))
    out512 = _tok(g, tok_W, tok_b.reshape(1, H), vm)
    padded = out512.reshape(NIMG, MTOK, H)
    return jnp.concatenate([gtok[:, None, :], padded], axis=1)

# --- scband reference (transcript-rebuilt; emitter-appended) ---
"""Pipeline reference for scband-graph-adapter-18631568130414 (READ-ONLY COPY).

The authoritative reference and input builder live on the scoring server;
editing this copy changes nothing except your own understanding.
"""

import jax, jax.numpy as jnp
import numpy as np

HIDDEN = 128
MAX_TOK = 32
N_LAYERS = 3
N_NODES = 10000
N_TRIPLES = 320000
N_IMG = 16

def silu(x):
    return x * jax.nn.sigmoid(x)

def layer_norm(x, g, b, eps=1e-5):
    m = jnp.mean(x, axis=-1, keepdims=True)
    v = jnp.mean((x - m) ** 2, axis=-1, keepdims=True)
    return (x - m) / jnp.sqrt(v + eps) * g + b

def setup_inputs(seed: int = 0) -> dict:
    key = jax.random.key(seed)
    ks = jax.random.split(key, 20)
    node_feats = jax.random.normal(ks[0], (N_NODES, HIDDEN), dtype=jnp.float32)
    rel_feats = jax.random.normal(ks[1], (N_NODES, HIDDEN), dtype=jnp.float32)
    triples = jax.random.randint(ks[2], (N_TRIPLES, 3), 0, N_NODES)
    obj_to_img = jnp.sort(jax.random.randint(ks[3], (N_NODES,), 0, N_IMG))
    s = 0.02
    return {
        'node_feats': node_feats,
        'rel_feats': rel_feats,
        'triples': triples,
        'obj_to_img': obj_to_img,
        'node_in_W': jax.random.normal(ks[4], (HIDDEN, HIDDEN), jnp.float32) * s,
        'node_in_b': jnp.zeros((HIDDEN,), jnp.float32),
        'rel_in_W': jax.random.normal(ks[5], (HIDDEN, HIDDEN), jnp.float32) * s,
        'rel_in_b': jnp.zeros((HIDDEN,), jnp.float32),
        'proj_W': jax.random.normal(ks[6], (N_LAYERS, HIDDEN, 2 * HIDDEN), jnp.float32) * s,
        'proj_b': jnp.zeros((N_LAYERS, HIDDEN), jnp.float32),
        'ln_g': jnp.ones((HIDDEN,), jnp.float32),
        'ln_b': jnp.zeros((HIDDEN,), jnp.float32),
        'tok_W': jax.random.normal(ks[7], (HIDDEN, HIDDEN), jnp.float32) * s,
        'tok_b': jnp.zeros((HIDDEN,), jnp.float32),
        'glob_W': jax.random.normal(ks[8], (HIDDEN, HIDDEN), jnp.float32) * s,
        'glob_b': jnp.zeros((HIDDEN,), jnp.float32),
    }

def reference(node_feats, rel_feats, triples, obj_to_img, node_in_W, node_in_b,
              rel_in_W, rel_in_b, proj_W, proj_b, ln_g, ln_b, tok_W, tok_b,
              glob_W, glob_b):
    # GraphTripletGCN
    ns = node_feats @ node_in_W.T + node_in_b
    rs = rel_feats @ rel_in_W.T + rel_in_b
    subj = triples[:, 0]
    rel = triples[:, 1]
    obj = triples[:, 2]
    for l in range(N_LAYERS):
        msg_s2o = ns[subj] + rs[rel]
        msg_o2s = ns[obj] + rs[rel]
        agg = jnp.zeros_like(ns).at[obj].add(msg_s2o).at[subj].add(msg_o2s)
        h = jnp.concatenate([ns, agg], axis=-1) @ proj_W[l].T + proj_b[l]
        ns = ns + silu(h)  # dropout=0.0 -> identity
    ns = layer_norm(ns, ln_g, ln_b)
    # per-image mean pool (_segment_reduce 'mean')
    B = N_IMG
    sums = jnp.zeros((B, ns.shape[-1]), ns.dtype).at[obj_to_img].add(ns)
    counts = jnp.zeros((B,), ns.dtype).at[obj_to_img].add(1.0)
    glob = sums / jnp.clip(counts, 1.0, None)[:, None]
    # projections into cross-attention space
    node_tok = ns @ tok_W.T + tok_b
    glob_tok = glob @ glob_W.T + glob_b
    # _pad_graph_tokens: first max_graph_tokens nodes per image (obj_to_img sorted)
    starts = jnp.searchsorted(obj_to_img, jnp.arange(B))
    pos = jnp.arange(ns.shape[0]) - starts[obj_to_img]
    valid = pos < MAX_TOK
    b_idx = jnp.where(valid, obj_to_img, B)
    p_idx = jnp.clip(pos, 0, MAX_TOK - 1)
    padded = jnp.zeros((B + 1, MAX_TOK, node_tok.shape[-1]), node_tok.dtype)
    padded = padded.at[b_idx, p_idx].set(node_tok)[:B]
    return jnp.concatenate([glob_tok[:, None, :], padded], axis=1)

if __name__ == "__main__":
    import jax
    _d = setup_inputs()
    print(jax.jit(kernel)(*tuple(_d.values())))

</pallas_src>

<mosaic_0001>
#map = affine_map<(d0, d1) -> (0, 0)>
#map1 = affine_map<(d0, d1) -> (0, 0, 0)>
module attributes {stable_mosaic.version = 14 : i64} {
  func.func @segsum(%arg0: i32, %arg1: i32, %arg2: memref<10240x128xf32, #tpu.memory_space<hbm>>, %arg3: memref<5120x1x128xi32, #tpu.memory_space<hbm>>, %arg4: memref<5120x1x128xi32, #tpu.memory_space<hbm>>, %arg5: memref<10240x128xf32, #tpu.memory_space<hbm>>, %arg6: memref<2x10240x128xf32, #tpu.memory_space<hbm>>, %arg7: memref<1x128xi32, #tpu.memory_space<vmem>>, %arg8: memref<1x128xi32, #tpu.memory_space<vmem>>, %arg9: memref<128x128xf32, #tpu.memory_space<vmem>>, %arg10: memref<10240x128xf32, #tpu.memory_space<vmem_shared>>, %arg11: memref<!tpu.dma_semaphore, #tpu.memory_space<semaphore_mem>>) attributes {dimension_semantics = [#tpu.dimension_semantics<core_parallel>, #tpu.dimension_semantics<subcore_parallel>], iteration_bounds = array<i64: 2, 16>, scalar_prefetch = 0 : i64, scratch_operands = 5 : i64, tpu.core_type = #tpu.core_type<sc_vector_subcore>, window_params = [{transform_indices = #map}, {transform_indices = #map1}, {transform_indices = #map1}, {transform_indices = #map}, {transform_indices = #map1}]} {
    %mul3A = arith.constant 2 : i32
    %mul3A_0 = arith.muli %arg1, %mul3A : i32
    %add3A = arith.addi %mul3A_0, %arg0 : i32
    %mul3A_1 = arith.constant 640 : i32
    %mul3A_2 = arith.muli %arg1, %mul3A_1 : i32
    %mul3A_3 = arith.constant 640 : i32
    %mul3A_4 = arith.muli %arg1, %mul3A_3 : i32
    "tpu.region"() ({
      %run_scoped3A = tpu.sem_alloc : memref<!tpu.dma_semaphore, #tpu.memory_space<semaphore_mem>>
      %dma_start3A = arith.constant 0 : i32
      %dma_start3A_15 = tpu.memref_slice %arg10[%mul3A_4, %dma_start3A] : memref<10240x128xf32, #tpu.memory_space<vmem_shared>> -> memref<640x128xf32, #tpu.memory_space<vmem_shared>>
      %dma_start3A_16 = arith.constant 0 : i32
      %dma_start3A_17 = tpu.memref_slice %arg5[%mul3A_2, %dma_start3A_16] : memref<10240x128xf32, #tpu.memory_space<hbm>> -> memref<640x128xf32, #tpu.memory_space<hbm>>
      tpu.enqueue_dma source(%dma_start3A_17 : memref<640x128xf32, #tpu.memory_space<hbm>>) target(%dma_start3A_15 : memref<640x128xf32, #tpu.memory_space<vmem_shared>>) target_semaphore(%run_scoped3A : memref<!tpu.dma_semaphore, #tpu.memory_space<semaphore_mem>>)
      %dma_wait3A = arith.constant 0 : i32
      %dma_wait3A_18 = tpu.memref_slice %arg10[%mul3A_4, %dma_wait3A] : memref<10240x128xf32, #tpu.memory_space<vmem_shared>> -> memref<640x128xf32, #tpu.memory_space<vmem_shared>>
      %dma_wait3A_19 = arith.constant 0 : i32
      %dma_wait3A_20 = tpu.memref_slice %arg5[%mul3A_2, %dma_wait3A_19] : memref<10240x128xf32, #tpu.memory_space<hbm>> -> memref<640x128xf32, #tpu.memory_space<hbm>>
      tpu.wait_dma2 semaphore(%run_scoped3A : memref<!tpu.dma_semaphore, #tpu.memory_space<semaphore_mem>>) src(%dma_wait3A_20 : memref<640x128xf32, #tpu.memory_space<hbm>>) dst(%dma_wait3A_18 : memref<640x128xf32, #tpu.memory_space<vmem_shared>>)
      tpu.yield
    }) : () -> ()
    %barrier3A = arith.constant 0 : index
    tpu.barrier barrier_id(%barrier3A)
    %scan3A = arith.constant 0 : i32
    %scan3A_5 = arith.constant 0 : i32
    %scan3A_6 = arith.constant 160 : i32
    %scan3A_7 = arith.addi %scan3A_5, %scan3A_6 : i32
    %scan3A_8 = arith.constant 1 : i32
    scf.for %scan3A_15 = %scan3A_5 to %scan3A_7 step %scan3A_8  : i32 {
      %mul3A_16 = arith.constant 160 : i32
      %mul3A_17 = arith.muli %add3A, %mul3A_16 : i32
      %add3A_18 = arith.addi %mul3A_17, %scan3A_15 : i32
      "tpu.region"() ({
        %run_scoped3A_34 = tpu.sem_alloc : memref<!tpu.dma_semaphore, #tpu.memory_space<semaphore_mem>>
        %dma_start3A_35 = arith.constant 0 : i32
        %dma_start3A_36 = arith.constant 0 : i32
        %dma_start3A_37 = tpu.memref_slice %arg3[%add3A_18, %dma_start3A_35, %dma_start3A_36] : memref<5120x1x128xi32, #tpu.memory_space<hbm>> -> memref<1x1x128xi32, #tpu.memory_space<hbm>>
        %dma_start3A_38 = tpu.memref_squeeze %dma_start3A_37 : memref<1x1x128xi32, #tpu.memory_space<hbm>> -> memref<1x128xi32, #tpu.memory_space<hbm>>
        %dma_start3A_39 = arith.constant 0 : i32
        %dma_start3A_40 = arith.constant 0 : i32
        %dma_start3A_41 = tpu.memref_slice %arg3[%add3A_18, %dma_start3A_39, %dma_start3A_40] : memref<5120x1x128xi32, #tpu.memory_space<hbm>> -> memref<1x1x128xi32, #tpu.memory_space<hbm>>
        %dma_start3A_42 = tpu.memref_squeeze %dma_start3A_41 : memref<1x1x128xi32, #tpu.memory_space<hbm>> -> memref<1x128xi32, #tpu.memory_space<hbm>>
        tpu.enqueue_dma source(%dma_start3A_42 : memref<1x128xi32, #tpu.memory_space<hbm>>) target(%arg7 : memref<1x128xi32, #tpu.memory_space<vmem>>) target_semaphore(%run_scoped3A_34 : memref<!tpu.dma_semaphore, #tpu.memory_space<semaphore_mem>>)
        %dma_wait3A_43 = arith.constant 0 : i32
        %dma_wait3A_44 = arith.constant 0 : i32
        %dma_wait3A_45 = tpu.memref_slice %arg3[%add3A_18, %dma_wait3A_43, %dma_wait3A_44] : memref<5120x1x128xi32, #tpu.memory_space<hbm>> -> memref<1x1x128xi32, #tpu.memory_space<hbm>>
        %dma_wait3A_46 = tpu.memref_squeeze %dma_wait3A_45 : memref<1x1x128xi32, #tpu.memory_space<hbm>> -> memref<1x128xi32, #tpu.memory_space<hbm>>
        %dma_wait3A_47 = arith.constant 0 : i32
        %dma_wait3A_48 = arith.constant 0 : i32
        %dma_wait3A_49 = tpu.memref_slice %arg3[%add3A_18, %dma_wait3A_47, %dma_wait3A_48] : memref<5120x1x128xi32, #tpu.memory_space<hbm>> -> memref<1x1x128xi32, #tpu.memory_space<hbm>>
        %dma_wait3A_50 = tpu.memref_squeeze %dma_wait3A_49 : memref<1x1x128xi32, #tpu.memory_space<hbm>> -> memref<1x128xi32, #tpu.memory_space<hbm>>
        tpu.wait_dma2 semaphore(%run_scoped3A_34 : memref<!tpu.dma_semaphore, #tpu.memory_space<semaphore_mem>>) src(%dma_wait3A_50 : memref<1x128xi32, #tpu.memory_space<hbm>>) dst(%arg7 : memref<1x128xi32, #tpu.memory_space<vmem>>)
        tpu.yield
      }) : () -> ()
      %mul3A_19 = arith.constant 160 : i32
      %mul3A_20 = arith.muli %add3A, %mul3A_19 : i32
      %add3A_21 = arith.addi %mul3A_20, %scan3A_15 : i32
      "tpu.region"() ({
        %run_scoped3A_34 = tpu.sem_alloc : memref<!tpu.dma_semaphore, #tpu.memory_space<semaphore_mem>>
        %dma_start3A_35 = arith.constant 0 : i32
        %dma_start3A_36 = arith.constant 0 : i32
        %dma_start3A_37 = tpu.memref_slice %arg4[%add3A_21, %dma_start3A_35, %dma_start3A_36] : memref<5120x1x128xi32, #tpu.memory_space<hbm>> -> memref<1x1x128xi32, #tpu.memory_space<hbm>>
        %dma_start3A_38 = tpu.memref_squeeze %dma_start3A_37 : memref<1x1x128xi32, #tpu.memory_space<hbm>> -> memref<1x128xi32, #tpu.memory_space<hbm>>
        %dma_start3A_39 = arith.constant 0 : i32
        %dma_start3A_40 = arith.constant 0 : i32
        %dma_start3A_41 = tpu.memref_slice %arg4[%add3A_21, %dma_start3A_39, %dma_start3A_40] : memref<5120x1x128xi32, #tpu.memory_space<hbm>> -> memref<1x1x128xi32, #tpu.memory_space<hbm>>
        %dma_start3A_42 = tpu.memref_squeeze %dma_start3A_41 : memref<1x1x128xi32, #tpu.memory_space<hbm>> -> memref<1x128xi32, #tpu.memory_space<hbm>>
        tpu.enqueue_dma source(%dma_start3A_42 : memref<1x128xi32, #tpu.memory_space<hbm>>) target(%arg8 : memref<1x128xi32, #tpu.memory_space<vmem>>) target_semaphore(%run_scoped3A_34 : memref<!tpu.dma_semaphore, #tpu.memory_space<semaphore_mem>>)
        %dma_wait3A_43 = arith.constant 0 : i32
        %dma_wait3A_44 = arith.constant 0 : i32
        %dma_wait3A_45 = tpu.memref_slice %arg4[%add3A_21, %dma_wait3A_43, %dma_wait3A_44] : memref<5120x1x128xi32, #tpu.memory_space<hbm>> -> memref<1x1x128xi32, #tpu.memory_space<hbm>>
        %dma_wait3A_46 = tpu.memref_squeeze %dma_wait3A_45 : memref<1x1x128xi32, #tpu.memory_space<hbm>> -> memref<1x128xi32, #tpu.memory_space<hbm>>
        %dma_wait3A_47 = arith.constant 0 : i32
        %dma_wait3A_48 = arith.constant 0 : i32
        %dma_wait3A_49 = tpu.memref_slice %arg4[%add3A_21, %dma_wait3A_47, %dma_wait3A_48] : memref<5120x1x128xi32, #tpu.memory_space<hbm>> -> memref<1x1x128xi32, #tpu.memory_space<hbm>>
        %dma_wait3A_50 = tpu.memref_squeeze %dma_wait3A_49 : memref<1x1x128xi32, #tpu.memory_space<hbm>> -> memref<1x128xi32, #tpu.memory_space<hbm>>
        tpu.wait_dma2 semaphore(%run_scoped3A_34 : memref<!tpu.dma_semaphore, #tpu.memory_space<semaphore_mem>>) src(%dma_wait3A_50 : memref<1x128xi32, #tpu.memory_space<hbm>>) dst(%arg8 : memref<1x128xi32, #tpu.memory_space<vmem>>)
        tpu.yield
      }) : () -> ()
      %dma_start3A = arith.constant 0 : i32
      %dma_start3A_22 = arith.constant 0 : i32
      %dma_start3A_23 = tpu.memref_slice %arg7[%dma_start3A, %dma_start3A_22] : memref<1x128xi32, #tpu.memory_space<vmem>> -> memref<1x128xi32, #tpu.memory_space<vmem>>
      %dma_start3A_24 = tpu.memref_squeeze %dma_start3A_23 : memref<1x128xi32, #tpu.memory_space<vmem>> -> memref<128xi32, #tpu.memory_space<vmem>>
      %dma_start3A_25 = arith.constant 0 : i32
      %dma_start3A_26 = arith.constant 0 : i32
      %dma_start3A_27 = tpu.memref_slice %arg2[%dma_start3A_25, %dma_start3A_26] : memref<10240x128xf32, #tpu.memory_space<hbm>> -> memref<10240x128xf32, #tpu.memory_space<hbm>>
      tpu.enqueue_indirect_dma source(%dma_start3A_27 : memref<10240x128xf32, #tpu.memory_space<hbm>>) target(%arg9 : memref<128x128xf32, #tpu.memory_space<vmem>>) offsets(%dma_start3A_24 : memref<128xi32, #tpu.memory_space<vmem>>) semaphore(%arg11 : memref<!tpu.dma_semaphore, #tpu.memory_space<semaphore_mem>>)
      %dma_wait3A = arith.constant 0 : i32
      %dma_wait3A_28 = arith.constant 0 : i32
      %dma_wait3A_29 = tpu.memref_slice %arg7[%dma_wait3A, %dma_wait3A_28] : memref<1x128xi32, #tpu.memory_space<vmem>> -> memref<1x128xi32, #tpu.memory_space<vmem>>
      %dma_wait3A_30 = tpu.memref_squeeze %dma_wait3A_29 : memref<1x128xi32, #tpu.memory_space<vmem>> -> memref<128xi32, #tpu.memory_space<vmem>>
      %dma_wait3A_31 = arith.constant 0 : i32
      %dma_wait3A_32 = arith.constant 0 : i32
      %dma_wait3A_33 = tpu.memref_slice %arg2[%dma_wait3A_31, %dma_wait3A_32] : memref<10240x128xf32, #tpu.memory_space<hbm>> -> memref<10240x128xf32, #tpu.memory_space<hbm>>
      tpu.wait_indirect_dma semaphore(%arg11 : memref<!tpu.dma_semaphore, #tpu.memory_space<semaphore_mem>>) src(%dma_wait3A_33 : memref<10240x128xf32, #tpu.memory_space<hbm>>) dst(%arg9 : memref<128x128xf32, #tpu.memory_space<vmem>>)
      %run_scoped3A = arith.constant 0 : i32
      "tpu.region"() ({
        %run_scoped3A_34 = tpu.sem_alloc : memref<!tpu.dma_semaphore, #tpu.memory_space<semaphore_mem>>
        %dma_start3A_35 = arith.constant 0 : i32
        %dma_start3A_36 = tpu.memref_slice %arg8[%run_scoped3A, %dma_start3A_35] : memref<1x128xi32, #tpu.memory_space<vmem>> -> memref<1x128xi32, #tpu.memory_space<vmem>>
        %dma_start3A_37 = tpu.memref_squeeze %dma_start3A_36 : memref<1x128xi32, #tpu.memory_space<vmem>> -> memref<128xi32, #tpu.memory_space<vmem>>
        %dma_start3A_38 = arith.constant 0 : i32
        %dma_start3A_39 = arith.constant 0 : i32
        %dma_start3A_40 = tpu.memref_slice %arg10[%dma_start3A_38, %dma_start3A_39] : memref<10240x128xf32, #tpu.memory_space<vmem_shared>> -> memref<10240x128xf32, #tpu.memory_space<vmem_shared>>
        tpu.enqueue_indirect_dma source(%arg9 : memref<128x128xf32, #tpu.memory_space<vmem>>) target(%dma_start3A_40 : memref<10240x128xf32, #tpu.memory_space<vmem_shared>>) offsets(%dma_start3A_37 : memref<128xi32, #tpu.memory_space<vmem>>) semaphore(%run_scoped3A_34 : memref<!tpu.dma_semaphore, #tpu.memory_space<semaphore_mem>>) {add = true}
        %dma_wait3A_41 = arith.constant 0 : i32
        %dma_wait3A_42 = tpu.memref_slice %arg8[%run_scoped3A, %dma_wait3A_41] : memref<1x128xi32, #tpu.memory_space<vmem>> -> memref<1x128xi32, #tpu.memory_space<vmem>>
        %dma_wait3A_43 = tpu.memref_squeeze %dma_wait3A_42 : memref<1x128xi32, #tpu.memory_space<vmem>> -> memref<128xi32, #tpu.memory_space<vmem>>
        %dma_wait3A_44 = arith.constant 0 : i32
        %dma_wait3A_45 = arith.constant 0 : i32
        %dma_wait3A_46 = tpu.memref_slice %arg10[%dma_wait3A_44, %dma_wait3A_45] : memref<10240x128xf32, #tpu.memory_space<vmem_shared>> -> memref<10240x128xf32, #tpu.memory_space<vmem_shared>>
        tpu.wait_indirect_dma semaphore(%run_scoped3A_34 : memref<!tpu.dma_semaphore, #tpu.memory_space<semaphore_mem>>) src(%arg9 : memref<128x128xf32, #tpu.memory_space<vmem>>) dst(%dma_wait3A_46 : memref<10240x128xf32, #tpu.memory_space<vmem_shared>>)
        tpu.yield
      }) : () -> ()
    }
    %scan3A_9 = arith.constant 160 : i32
    %barrier3A_10 = arith.constant 0 : index
    tpu.barrier barrier_id(%barrier3A_10)
    %mul3A_11 = arith.constant 640 : i32
    %mul3A_12 = arith.muli %arg1, %mul3A_11 : i32
    %mul3A_13 = arith.constant 640 : i32
    %mul3A_14 = arith.muli %arg1, %mul3A_13 : i32
    "tpu.region"() ({
      %run_scoped3A = tpu.sem_alloc : memref<!tpu.dma_semaphore, #tpu.memory_space<semaphore_mem>>
      %dma_start3A = arith.constant 0 : i32
      %dma_start3A_15 = tpu.memref_slice %arg6[%arg0, %mul3A_14, %dma_start3A] : memref<2x10240x128xf32, #tpu.memory_space<hbm>> -> memref<1x640x128xf32, #tpu.memory_space<hbm>>
      %dma_start3A_16 = tpu.memref_squeeze %dma_start3A_15 : memref<1x640x128xf32, #tpu.memory_space<hbm>> -> memref<640x128xf32, #tpu.memory_space<hbm>>
      %dma_start3A_17 = arith.constant 0 : i32
      %dma_start3A_18 = tpu.memref_slice %arg10[%mul3A_12, %dma_start3A_17] : memref<10240x128xf32, #tpu.memory_space<vmem_shared>> -> memref<640x128xf32, #tpu.memory_space<vmem_shared>>
      tpu.enqueue_dma source(%dma_start3A_18 : memref<640x128xf32, #tpu.memory_space<vmem_shared>>) target(%dma_start3A_16 : memref<640x128xf32, #tpu.memory_space<hbm>>) target_semaphore(%run_scoped3A : memref<!tpu.dma_semaphore, #tpu.memory_space<semaphore_mem>>)
      %dma_wait3A = arith.constant 0 : i32
      %dma_wait3A_19 = tpu.memref_slice %arg6[%arg0, %mul3A_14, %dma_wait3A] : memref<2x10240x128xf32, #tpu.memory_space<hbm>> -> memref<1x640x128xf32, #tpu.memory_space<hbm>>
      %dma_wait3A_20 = tpu.memref_squeeze %dma_wait3A_19 : memref<1x640x128xf32, #tpu.memory_space<hbm>> -> memref<640x128xf32, #tpu.memory_space<hbm>>
      %dma_wait3A_21 = arith.constant 0 : i32
      %dma_wait3A_22 = tpu.memref_slice %arg10[%mul3A_12, %dma_wait3A_21] : memref<10240x128xf32, #tpu.memory_space<vmem_shared>> -> memref<640x128xf32, #tpu.memory_space<vmem_shared>>
      tpu.wait_dma2 semaphore(%run_scoped3A : memref<!tpu.dma_semaphore, #tpu.memory_space<semaphore_mem>>) src(%dma_wait3A_22 : memref<640x128xf32, #tpu.memory_space<vmem_shared>>) dst(%dma_wait3A_20 : memref<640x128xf32, #tpu.memory_space<hbm>>)
      tpu.yield
    }) : () -> ()
    return
  }
}

#map = affine_map<(d0, d1) -> (0, 0)>
#map1 = affine_map<(d0, d1) -> (0, 0, 0)>
module attributes {stable_mosaic.version = 14 : i64} {
  func.func @segsum(%arg0: i32, %arg1: i32, %arg2: memref<10240x128xf32, #tpu.memory_space<hbm>>, %arg3: memref<5120x1x128xi32, #tpu.memory_space<hbm>>, %arg4: memref<5120x1x128xi32, #tpu.memory_space<hbm>>, %arg5: memref<10240x128xf32, #tpu.memory_space<hbm>>, %arg6: memref<2x10240x128xf32, #tpu.memory_space<hbm>>, %arg7: memref<1x128xi32, #tpu.memory_space<vmem>>, %arg8: memref<1x128xi32, #tpu.memory_space<vmem>>, %arg9: memref<128x128xf32, #tpu.memory_space<vmem>>, %arg10: memref<10240x128xf32, #tpu.memory_space<vmem_shared>>, %arg11: memref<!tpu.dma_semaphore, #tpu.memory_space<semaphore_mem>>) attributes {dimension_semantics = [#tpu.dimension_semantics<core_parallel>, #tpu.dimension_semantics<subcore_parallel>], iteration_bounds = array<i64: 2, 16>, scalar_prefetch = 0 : i64, scratch_operands = 5 : i64, tpu.core_type = #tpu.core_type<sc_vector_subcore>, window_params = [{transform_indices = #map}, {transform_indices = #map1}, {transform_indices = #map1}, {transform_indices = #map}, {transform_indices = #map1}]} {
    %mul3A = arith.constant 2 : i32
    %mul3A_0 = arith.muli %arg1, %mul3A : i32
    %add3A = arith.addi %mul3A_0, %arg0 : i32
    %mul3A_1 = arith.constant 640 : i32
    %mul3A_2 = arith.muli %arg1, %mul3A_1 : i32
    %mul3A_3 = arith.constant 640 : i32
    %mul3A_4 = arith.muli %arg1, %mul3A_3 : i32
    "tpu.region"() ({
      %run_scoped3A = tpu.sem_alloc : memref<!tpu.dma_semaphore, #tpu.memory_space<semaphore_mem>>
      %dma_start3A = arith.constant 0 : i32
      %dma_start3A_15 = tpu.memref_slice %arg10[%mul3A_4, %dma_start3A] : memref<10240x128xf32, #tpu.memory_space<vmem_shared>> -> memref<640x128xf32, #tpu.memory_space<vmem_shared>>
      %dma_start3A_16 = arith.constant 0 : i32
      %dma_start3A_17 = tpu.memref_slice %arg5[%mul3A_2, %dma_start3A_16] : memref<10240x128xf32, #tpu.memory_space<hbm>> -> memref<640x128xf32, #tpu.memory_space<hbm>>
      tpu.enqueue_dma source(%dma_start3A_17 : memref<640x128xf32, #tpu.memory_space<hbm>>) target(%dma_start3A_15 : memref<640x128xf32, #tpu.memory_space<vmem_shared>>) target_semaphore(%run_scoped3A : memref<!tpu.dma_semaphore, #tpu.memory_space<semaphore_mem>>)
      %dma_wait3A = arith.constant 0 : i32
      %dma_wait3A_18 = tpu.memref_slice %arg10[%mul3A_4, %dma_wait3A] : memref<10240x128xf32, #tpu.memory_space<vmem_shared>> -> memref<640x128xf32, #tpu.memory_space<vmem_shared>>
      %dma_wait3A_19 = arith.constant 0 : i32
      %dma_wait3A_20 = tpu.memref_slice %arg5[%mul3A_2, %dma_wait3A_19] : memref<10240x128xf32, #tpu.memory_space<hbm>> -> memref<640x128xf32, #tpu.memory_space<hbm>>
      tpu.wait_dma2 semaphore(%run_scoped3A : memref<!tpu.dma_semaphore, #tpu.memory_space<semaphore_mem>>) src(%dma_wait3A_20 : memref<640x128xf32, #tpu.memory_space<hbm>>) dst(%dma_wait3A_18 : memref<640x128xf32, #tpu.memory_space<vmem_shared>>)
      tpu.yield
    }) : () -> ()
    %barrier3A = arith.constant 0 : index
    tpu.barrier barrier_id(%barrier3A)
    %scan3A = arith.constant 0 : i32
    %scan3A_5 = arith.constant 0 : i32
    %scan3A_6 = arith.constant 160 : i32
    %scan3A_7 = arith.addi %scan3A_5, %scan3A_6 : i32
    %scan3A_8 = arith.constant 1 : i32
    scf.for %scan3A_15 = %scan3A_5 to %scan3A_7 step %scan3A_8  : i32 {
      %mul3A_16 = arith.constant 160 : i32
      %mul3A_17 = arith.muli %add3A, %mul3A_16 : i32
      %add3A_18 = arith.addi %mul3A_17, %scan3A_15 : i32
      "tpu.region"() ({
        %run_scoped3A_34 = tpu.sem_alloc : memref<!tpu.dma_semaphore, #tpu.memory_space<semaphore_mem>>
        %dma_start3A_35 = arith.constant 0 : i32
        %dma_start3A_36 = arith.constant 0 : i32
        %dma_start3A_37 = tpu.memref_slice %arg3[%add3A_18, %dma_start3A_35, %dma_start3A_36] : memref<5120x1x128xi32, #tpu.memory_space<hbm>> -> memref<1x1x128xi32, #tpu.memory_space<hbm>>
        %dma_start3A_38 = tpu.memref_squeeze %dma_start3A_37 : memref<1x1x128xi32, #tpu.memory_space<hbm>> -> memref<1x128xi32, #tpu.memory_space<hbm>>
        %dma_start3A_39 = arith.constant 0 : i32
        %dma_start3A_40 = arith.constant 0 : i32
        %dma_start3A_41 = tpu.memref_slice %arg3[%add3A_18, %dma_start3A_39, %dma_start3A_40] : memref<5120x1x128xi32, #tpu.memory_space<hbm>> -> memref<1x1x128xi32, #tpu.memory_space<hbm>>
        %dma_start3A_42 = tpu.memref_squeeze %dma_start3A_41 : memref<1x1x128xi32, #tpu.memory_space<hbm>> -> memref<1x128xi32, #tpu.memory_space<hbm>>
        tpu.enqueue_dma source(%dma_start3A_42 : memref<1x128xi32, #tpu.memory_space<hbm>>) target(%arg7 : memref<1x128xi32, #tpu.memory_space<vmem>>) target_semaphore(%run_scoped3A_34 : memref<!tpu.dma_semaphore, #tpu.memory_space<semaphore_mem>>)
        %dma_wait3A_43 = arith.constant 0 : i32
        %dma_wait3A_44 = arith.constant 0 : i32
        %dma_wait3A_45 = tpu.memref_slice %arg3[%add3A_18, %dma_wait3A_43, %dma_wait3A_44] : memref<5120x1x128xi32, #tpu.memory_space<hbm>> -> memref<1x1x128xi32, #tpu.memory_space<hbm>>
        %dma_wait3A_46 = tpu.memref_squeeze %dma_wait3A_45 : memref<1x1x128xi32, #tpu.memory_space<hbm>> -> memref<1x128xi32, #tpu.memory_space<hbm>>
        %dma_wait3A_47 = arith.constant 0 : i32
        %dma_wait3A_48 = arith.constant 0 : i32
        %dma_wait3A_49 = tpu.memref_slice %arg3[%add3A_18, %dma_wait3A_47, %dma_wait3A_48] : memref<5120x1x128xi32, #tpu.memory_space<hbm>> -> memref<1x1x128xi32, #tpu.memory_space<hbm>>
        %dma_wait3A_50 = tpu.memref_squeeze %dma_wait3A_49 : memref<1x1x128xi32, #tpu.memory_space<hbm>> -> memref<1x128xi32, #tpu.memory_space<hbm>>
        tpu.wait_dma2 semaphore(%run_scoped3A_34 : memref<!tpu.dma_semaphore, #tpu.memory_space<semaphore_mem>>) src(%dma_wait3A_50 : memref<1x128xi32, #tpu.memory_space<hbm>>) dst(%arg7 : memref<1x128xi32, #tpu.memory_space<vmem>>)
        tpu.yield
      }) : () -> ()
      %mul3A_19 = arith.constant 160 : i32
      %mul3A_20 = arith.muli %add3A, %mul3A_19 : i32
      %add3A_21 = arith.addi %mul3A_20, %scan3A_15 : i32
      "tpu.region"() ({
        %run_scoped3A_34 = tpu.sem_alloc : memref<!tpu.dma_semaphore, #tpu.memory_space<semaphore_mem>>
        %dma_start3A_35 = arith.constant 0 : i32
        %dma_start3A_36 = arith.constant 0 : i32
        %dma_start3A_37 = tpu.memref_slice %arg4[%add3A_21, %dma_start3A_35, %dma_start3A_36] : memref<5120x1x128xi32, #tpu.memory_space<hbm>> -> memref<1x1x128xi32, #tpu.memory_space<hbm>>
        %dma_start3A_38 = tpu.memref_squeeze %dma_start3A_37 : memref<1x1x128xi32, #tpu.memory_space<hbm>> -> memref<1x128xi32, #tpu.memory_space<hbm>>
        %dma_start3A_39 = arith.constant 0 : i32
        %dma_start3A_40 = arith.constant 0 : i32
        %dma_start3A_41 = tpu.memref_slice %arg4[%add3A_21, %dma_start3A_39, %dma_start3A_40] : memref<5120x1x128xi32, #tpu.memory_space<hbm>> -> memref<1x1x128xi32, #tpu.memory_space<hbm>>
        %dma_start3A_42 = tpu.memref_squeeze %dma_start3A_41 : memref<1x1x128xi32, #tpu.memory_space<hbm>> -> memref<1x128xi32, #tpu.memory_space<hbm>>
        tpu.enqueue_dma source(%dma_start3A_42 : memref<1x128xi32, #tpu.memory_space<hbm>>) target(%arg8 : memref<1x128xi32, #tpu.memory_space<vmem>>) target_semaphore(%run_scoped3A_34 : memref<!tpu.dma_semaphore, #tpu.memory_space<semaphore_mem>>)
        %dma_wait3A_43 = arith.constant 0 : i32
        %dma_wait3A_44 = arith.constant 0 : i32
        %dma_wait3A_45 = tpu.memref_slice %arg4[%add3A_21, %dma_wait3A_43, %dma_wait3A_44] : memref<5120x1x128xi32, #tpu.memory_space<hbm>> -> memref<1x1x128xi32, #tpu.memory_space<hbm>>
        %dma_wait3A_46 = tpu.memref_squeeze %dma_wait3A_45 : memref<1x1x128xi32, #tpu.memory_space<hbm>> -> memref<1x128xi32, #tpu.memory_space<hbm>>
        %dma_wait3A_47 = arith.constant 0 : i32
        %dma_wait3A_48 = arith.constant 0 : i32
        %dma_wait3A_49 = tpu.memref_slice %arg4[%add3A_21, %dma_wait3A_47, %dma_wait3A_48] : memref<5120x1x128xi32, #tpu.memory_space<hbm>> -> memref<1x1x128xi32, #tpu.memory_space<hbm>>
        %dma_wait3A_50 = tpu.memref_squeeze %dma_wait3A_49 : memref<1x1x128xi32, #tpu.memory_space<hbm>> -> memref<1x128xi32, #tpu.memory_space<hbm>>
        tpu.wait_dma2 semaphore(%run_scoped3A_34 : memref<!tpu.dma_semaphore, #tpu.memory_space<semaphore_mem>>) src(%dma_wait3A_50 : memref<1x128xi32, #tpu.memory_space<hbm>>) dst(%arg8 : memref<1x128xi32, #tpu.memory_space<vmem>>)
        tpu.yield
      }) : () -> ()
      %dma_start3A = arith.constant 0 : i32
      %dma_start3A_22 = arith.constant 0 : i32
      %dma_start3A_23 = tpu.memref_slice %arg7[%dma_start3A, %dma_start3A_22] : memref<1x128xi32, #tpu.memory_space<vmem>> -> memref<1x128xi32, #tpu.memory_space<vmem>>
      %dma_start3A_24 = tpu.memref_squeeze %dma_start3A_23 : memref<1x128xi32, #tpu.memory_space<vmem>> -> memref<128xi32, #tpu.memory_space<vmem>>
      %dma_start3A_25 = arith.constant 0 : i32
      %dma_start3A_26 = arith.constant 0 : i32
      %dma_start3A_27 = tpu.memref_slice %arg2[%dma_start3A_25, %dma_start3A_26] : memref<10240x128xf32, #tpu.memory_space<hbm>> -> memref<10240x128xf32, #tpu.memory_space<hbm>>
      tpu.enqueue_indirect_dma source(%dma_start3A_27 : memref<10240x128xf32, #tpu.memory_space<hbm>>) target(%arg9 : memref<128x128xf32, #tpu.memory_space<vmem>>) offsets(%dma_start3A_24 : memref<128xi32, #tpu.memory_space<vmem>>) semaphore(%arg11 : memref<!tpu.dma_semaphore, #tpu.memory_space<semaphore_mem>>)
      %dma_wait3A = arith.constant 0 : i32
      %dma_wait3A_28 = arith.constant 0 : i32
      %dma_wait3A_29 = tpu.memref_slice %arg7[%dma_wait3A, %dma_wait3A_28] : memref<1x128xi32, #tpu.memory_space<vmem>> -> memref<1x128xi32, #tpu.memory_space<vmem>>
      %dma_wait3A_30 = tpu.memref_squeeze %dma_wait3A_29 : memref<1x128xi32, #tpu.memory_space<vmem>> -> memref<128xi32, #tpu.memory_space<vmem>>
      %dma_wait3A_31 = arith.constant 0 : i32
      %dma_wait3A_32 = arith.constant 0 : i32
      %dma_wait3A_33 = tpu.memref_slice %arg2[%dma_wait3A_31, %dma_wait3A_32] : memref<10240x128xf32, #tpu.memory_space<hbm>> -> memref<10240x128xf32, #tpu.memory_space<hbm>>
      tpu.wait_indirect_dma semaphore(%arg11 : memref<!tpu.dma_semaphore, #tpu.memory_space<semaphore_mem>>) src(%dma_wait3A_33 : memref<10240x128xf32, #tpu.memory_space<hbm>>) dst(%arg9 : memref<128x128xf32, #tpu.memory_space<vmem>>)
      %run_scoped3A = arith.constant 0 : i32
      "tpu.region"() ({
        %run_scoped3A_34 = tpu.sem_alloc : memref<!tpu.dma_semaphore, #tpu.memory_space<semaphore_mem>>
        %dma_start3A_35 = arith.constant 0 : i32
        %dma_start3A_36 = tpu.memref_slice %arg8[%run_scoped3A, %dma_start3A_35] : memref<1x128xi32, #tpu.memory_space<vmem>> -> memref<1x128xi32, #tpu.memory_space<vmem>>
        %dma_start3A_37 = tpu.memref_squeeze %dma_start3A_36 : memref<1x128xi32, #tpu.memory_space<vmem>> -> memref<128xi32, #tpu.memory_space<vmem>>
        %dma_start3A_38 = arith.constant 0 : i32
        %dma_start3A_39 = arith.constant 0 : i32
        %dma_start3A_40 = tpu.memref_slice %arg10[%dma_start3A_38, %dma_start3A_39] : memref<10240x128xf32, #tpu.memory_space<vmem_shared>> -> memref<10240x128xf32, #tpu.memory_space<vmem_shared>>
        tpu.enqueue_indirect_dma source(%arg9 : memref<128x128xf32, #tpu.memory_space<vmem>>) target(%dma_start3A_40 : memref<10240x128xf32, #tpu.memory_space<vmem_shared>>) offsets(%dma_start3A_37 : memref<128xi32, #tpu.memory_space<vmem>>) semaphore(%run_scoped3A_34 : memref<!tpu.dma_semaphore, #tpu.memory_space<semaphore_mem>>) {add = true}
        %dma_wait3A_41 = arith.constant 0 : i32
        %dma_wait3A_42 = tpu.memref_slice %arg8[%run_scoped3A, %dma_wait3A_41] : memref<1x128xi32, #tpu.memory_space<vmem>> -> memref<1x128xi32, #tpu.memory_space<vmem>>
        %dma_wait3A_43 = tpu.memref_squeeze %dma_wait3A_42 : memref<1x128xi32, #tpu.memory_space<vmem>> -> memref<128xi32, #tpu.memory_space<vmem>>
        %dma_wait3A_44 = arith.constant 0 : i32
        %dma_wait3A_45 = arith.constant 0 : i32
        %dma_wait3A_46 = tpu.memref_slice %arg10[%dma_wait3A_44, %dma_wait3A_45] : memref<10240x128xf32, #tpu.memory_space<vmem_shared>> -> memref<10240x128xf32, #tpu.memory_space<vmem_shared>>
        tpu.wait_indirect_dma semaphore(%run_scoped3A_34 : memref<!tpu.dma_semaphore, #tpu.memory_space<semaphore_mem>>) src(%arg9 : memref<128x128xf32, #tpu.memory_space<vmem>>) dst(%dma_wait3A_46 : memref<10240x128xf32, #tpu.memory_space<vmem_shared>>)
        tpu.yield
      }) : () -> ()
    }
    %scan3A_9 = arith.constant 160 : i32
    %barrier3A_10 = arith.constant 0 : index
    tpu.barrier barrier_id(%barrier3A_10)
    %mul3A_11 = arith.constant 640 : i32
    %mul3A_12 = arith.muli %arg1, %mul3A_11 : i32
    %mul3A_13 = arith.constant 640 : i32
    %mul3A_14 = arith.muli %arg1, %mul3A_13 : i32
    "tpu.region"() ({
      %run_scoped3A = tpu.sem_alloc : memref<!tpu.dma_semaphore, #tpu.memory_space<semaphore_mem>>
      %dma_start3A = arith.constant 0 : i32
      %dma_start3A_15 = tpu.memref_slice %arg6[%arg0, %mul3A_14, %dma_start3A] : memref<2x10240x128xf32, #tpu.memory_space<hbm>> -> memref<1x640x128xf32, #tpu.memory_space<hbm>>
      %dma_start3A_16 = tpu.memref_squeeze %dma_start3A_15 : memref<1x640x128xf32, #tpu.memory_space<hbm>> -> memref<640x128xf32, #tpu.memory_space<hbm>>
      %dma_start3A_17 = arith.constant 0 : i32
      %dma_start3A_18 = tpu.memref_slice %arg10[%mul3A_12, %dma_start3A_17] : memref<10240x128xf32, #tpu.memory_space<vmem_shared>> -> memref<640x128xf32, #tpu.memory_space<vmem_shared>>
      tpu.enqueue_dma source(%dma_start3A_18 : memref<640x128xf32, #tpu.memory_space<vmem_shared>>) target(%dma_start3A_16 : memref<640x128xf32, #tpu.memory_space<hbm>>) target_semaphore(%run_scoped3A : memref<!tpu.dma_semaphore, #tpu.memory_space<semaphore_mem>>)
      %dma_wait3A = arith.constant 0 : i32
      %dma_wait3A_19 = tpu.memref_slice %arg6[%arg0, %mul3A_14, %dma_wait3A] : memref<2x10240x128xf32, #tpu.memory_space<hbm>> -> memref<1x640x128xf32, #tpu.memory_space<hbm>>
      %dma_wait3A_20 = tpu.memref_squeeze %dma_wait3A_19 : memref<1x640x128xf32, #tpu.memory_space<hbm>> -> memref<640x128xf32, #tpu.memory_space<hbm>>
      %dma_wait3A_21 = arith.constant 0 : i32
      %dma_wait3A_22 = tpu.memref_slice %arg10[%mul3A_12, %dma_wait3A_21] : memref<10240x128xf32, #tpu.memory_space<vmem_shared>> -> memref<640x128xf32, #tpu.memory_space<vmem_shared>>
      tpu.wait_dma2 semaphore(%run_scoped3A : memref<!tpu.dma_semaphore, #tpu.memory_space<semaphore_mem>>) src(%dma_wait3A_22 : memref<640x128xf32, #tpu.memory_space<vmem_shared>>) dst(%dma_wait3A_20 : memref<640x128xf32, #tpu.memory_space<hbm>>)
      tpu.yield
    }) : () -> ()
    return
  }
}

#map = affine_map<(d0, d1) -> (0, 0)>
#map1 = affine_map<(d0, d1) -> (0, 0, 0)>
module attributes {stable_mosaic.version = 14 : i64} {
  func.func @segsum(%arg0: i32, %arg1: i32, %arg2: memref<10240x128xf32, #tpu.memory_space<hbm>>, %arg3: memref<5120x1x128xi32, #tpu.memory_space<hbm>>, %arg4: memref<5120x1x128xi32, #tpu.memory_space<hbm>>, %arg5: memref<10240x128xf32, #tpu.memory_space<hbm>>, %arg6: memref<2x10240x128xf32, #tpu.memory_space<hbm>>, %arg7: memref<1x128xi32, #tpu.memory_space<vmem>>, %arg8: memref<1x128xi32, #tpu.memory_space<vmem>>, %arg9: memref<128x128xf32, #tpu.memory_space<vmem>>, %arg10: memref<10240x128xf32, #tpu.memory_space<vmem_shared>>, %arg11: memref<!tpu.dma_semaphore, #tpu.memory_space<semaphore_mem>>) attributes {dimension_semantics = [#tpu.dimension_semantics<core_parallel>, #tpu.dimension_semantics<subcore_parallel>], iteration_bounds = array<i64: 2, 16>, scalar_prefetch = 0 : i64, scratch_operands = 5 : i64, tpu.core_type = #tpu.core_type<sc_vector_subcore>, window_params = [{transform_indices = #map}, {transform_indices = #map1}, {transform_indices = #map1}, {transform_indices = #map}, {transform_indices = #map1}]} {
    %mul3A = arith.constant 2 : i32
    %mul3A_0 = arith.muli %arg1, %mul3A : i32
    %add3A = arith.addi %mul3A_0, %arg0 : i32
    %mul3A_1 = arith.constant 640 : i32
    %mul3A_2 = arith.muli %arg1, %mul3A_1 : i32
    %mul3A_3 = arith.constant 640 : i32
    %mul3A_4 = arith.muli %arg1, %mul3A_3 : i32
    "tpu.region"() ({
      %run_scoped3A = tpu.sem_alloc : memref<!tpu.dma_semaphore, #tpu.memory_space<semaphore_mem>>
      %dma_start3A = arith.constant 0 : i32
      %dma_start3A_15 = tpu.memref_slice %arg10[%mul3A_4, %dma_start3A] : memref<10240x128xf32, #tpu.memory_space<vmem_shared>> -> memref<640x128xf32, #tpu.memory_space<vmem_shared>>
      %dma_start3A_16 = arith.constant 0 : i32
      %dma_start3A_17 = tpu.memref_slice %arg5[%mul3A_2, %dma_start3A_16] : memref<10240x128xf32, #tpu.memory_space<hbm>> -> memref<640x128xf32, #tpu.memory_space<hbm>>
      tpu.enqueue_dma source(%dma_start3A_17 : memref<640x128xf32, #tpu.memory_space<hbm>>) target(%dma_start3A_15 : memref<640x128xf32, #tpu.memory_space<vmem_shared>>) target_semaphore(%run_scoped3A : memref<!tpu.dma_semaphore, #tpu.memory_space<semaphore_mem>>)
      %dma_wait3A = arith.constant 0 : i32
      %dma_wait3A_18 = tpu.memref_slice %arg10[%mul3A_4, %dma_wait3A] : memref<10240x128xf32, #tpu.memory_space<vmem_shared>> -> memref<640x128xf32, #tpu.memory_space<vmem_shared>>
      %dma_wait3A_19 = arith.constant 0 : i32
      %dma_wait3A_20 = tpu.memref_slice %arg5[%mul3A_2, %dma_wait3A_19] : memref<10240x128xf32, #tpu.memory_space<hbm>> -> memref<640x128xf32, #tpu.memory_space<hbm>>
      tpu.wait_dma2 semaphore(%run_scoped3A : memref<!tpu.dma_semaphore, #tpu.memory_space<semaphore_mem>>) src(%dma_wait3A_20 : memref<640x128xf32, #tpu.memory_space<hbm>>) dst(%dma_wait3A_18 : memref<640x128xf32, #tpu.memory_space<vmem_shared>>)
      tpu.yield
    }) : () -> ()
    %barrier3A = arith.constant 0 : index
    tpu.barrier barrier_id(%barrier3A)
    %scan3A = arith.constant 0 : i32
    %scan3A_5 = arith.constant 0 : i32
    %scan3A_6 = arith.constant 160 : i32
    %scan3A_7 = arith.addi %scan3A_5, %scan3A_6 : i32
    %scan3A_8 = arith.constant 1 : i32
    scf.for %scan3A_15 = %scan3A_5 to %scan3A_7 step %scan3A_8  : i32 {
      %mul3A_16 = arith.constant 160 : i32
      %mul3A_17 = arith.muli %add3A, %mul3A_16 : i32
      %add3A_18 = arith.addi %mul3A_17, %scan3A_15 : i32
      "tpu.region"() ({
        %run_scoped3A_34 = tpu.sem_alloc : memref<!tpu.dma_semaphore, #tpu.memory_space<semaphore_mem>>
        %dma_start3A_35 = arith.constant 0 : i32
        %dma_start3A_36 = arith.constant 0 : i32
        %dma_start3A_37 = tpu.memref_slice %arg3[%add3A_18, %dma_start3A_35, %dma_start3A_36] : memref<5120x1x128xi32, #tpu.memory_space<hbm>> -> memref<1x1x128xi32, #tpu.memory_space<hbm>>
        %dma_start3A_38 = tpu.memref_squeeze %dma_start3A_37 : memref<1x1x128xi32, #tpu.memory_space<hbm>> -> memref<1x128xi32, #tpu.memory_space<hbm>>
        %dma_start3A_39 = arith.constant 0 : i32
        %dma_start3A_40 = arith.constant 0 : i32
        %dma_start3A_41 = tpu.memref_slice %arg3[%add3A_18, %dma_start3A_39, %dma_start3A_40] : memref<5120x1x128xi32, #tpu.memory_space<hbm>> -> memref<1x1x128xi32, #tpu.memory_space<hbm>>
        %dma_start3A_42 = tpu.memref_squeeze %dma_start3A_41 : memref<1x1x128xi32, #tpu.memory_space<hbm>> -> memref<1x128xi32, #tpu.memory_space<hbm>>
        tpu.enqueue_dma source(%dma_start3A_42 : memref<1x128xi32, #tpu.memory_space<hbm>>) target(%arg7 : memref<1x128xi32, #tpu.memory_space<vmem>>) target_semaphore(%run_scoped3A_34 : memref<!tpu.dma_semaphore, #tpu.memory_space<semaphore_mem>>)
        %dma_wait3A_43 = arith.constant 0 : i32
        %dma_wait3A_44 = arith.constant 0 : i32
        %dma_wait3A_45 = tpu.memref_slice %arg3[%add3A_18, %dma_wait3A_43, %dma_wait3A_44] : memref<5120x1x128xi32, #tpu.memory_space<hbm>> -> memref<1x1x128xi32, #tpu.memory_space<hbm>>
        %dma_wait3A_46 = tpu.memref_squeeze %dma_wait3A_45 : memref<1x1x128xi32, #tpu.memory_space<hbm>> -> memref<1x128xi32, #tpu.memory_space<hbm>>
        %dma_wait3A_47 = arith.constant 0 : i32
        %dma_wait3A_48 = arith.constant 0 : i32
        %dma_wait3A_49 = tpu.memref_slice %arg3[%add3A_18, %dma_wait3A_47, %dma_wait3A_48] : memref<5120x1x128xi32, #tpu.memory_space<hbm>> -> memref<1x1x128xi32, #tpu.memory_space<hbm>>
        %dma_wait3A_50 = tpu.memref_squeeze %dma_wait3A_49 : memref<1x1x128xi32, #tpu.memory_space<hbm>> -> memref<1x128xi32, #tpu.memory_space<hbm>>
        tpu.wait_dma2 semaphore(%run_scoped3A_34 : memref<!tpu.dma_semaphore, #tpu.memory_space<semaphore_mem>>) src(%dma_wait3A_50 : memref<1x128xi32, #tpu.memory_space<hbm>>) dst(%arg7 : memref<1x128xi32, #tpu.memory_space<vmem>>)
        tpu.yield
      }) : () -> ()
      %mul3A_19 = arith.constant 160 : i32
      %mul3A_20 = arith.muli %add3A, %mul3A_19 : i32
      %add3A_21 = arith.addi %mul3A_20, %scan3A_15 : i32
      "tpu.region"() ({
        %run_scoped3A_34 = tpu.sem_alloc : memref<!tpu.dma_semaphore, #tpu.memory_space<semaphore_mem>>
        %dma_start3A_35 = arith.constant 0 : i32
        %dma_start3A_36 = arith.constant 0 : i32
        %dma_start3A_37 = tpu.memref_slice %arg4[%add3A_21, %dma_start3A_35, %dma_start3A_36] : memref<5120x1x128xi32, #tpu.memory_space<hbm>> -> memref<1x1x128xi32, #tpu.memory_space<hbm>>
        %dma_start3A_38 = tpu.memref_squeeze %dma_start3A_37 : memref<1x1x128xi32, #tpu.memory_space<hbm>> -> memref<1x128xi32, #tpu.memory_space<hbm>>
        %dma_start3A_39 = arith.constant 0 : i32
        %dma_start3A_40 = arith.constant 0 : i32
        %dma_start3A_41 = tpu.memref_slice %arg4[%add3A_21, %dma_start3A_39, %dma_start3A_40] : memref<5120x1x128xi32, #tpu.memory_space<hbm>> -> memref<1x1x128xi32, #tpu.memory_space<hbm>>
        %dma_start3A_42 = tpu.memref_squeeze %dma_start3A_41 : memref<1x1x128xi32, #tpu.memory_space<hbm>> -> memref<1x128xi32, #tpu.memory_space<hbm>>
        tpu.enqueue_dma source(%dma_start3A_42 : memref<1x128xi32, #tpu.memory_space<hbm>>) target(%arg8 : memref<1x128xi32, #tpu.memory_space<vmem>>) target_semaphore(%run_scoped3A_34 : memref<!tpu.dma_semaphore, #tpu.memory_space<semaphore_mem>>)
        %dma_wait3A_43 = arith.constant 0 : i32
        %dma_wait3A_44 = arith.constant 0 : i32
        %dma_wait3A_45 = tpu.memref_slice %arg4[%add3A_21, %dma_wait3A_43, %dma_wait3A_44] : memref<5120x1x128xi32, #tpu.memory_space<hbm>> -> memref<1x1x128xi32, #tpu.memory_space<hbm>>
        %dma_wait3A_46 = tpu.memref_squeeze %dma_wait3A_45 : memref<1x1x128xi32, #tpu.memory_space<hbm>> -> memref<1x128xi32, #tpu.memory_space<hbm>>
        %dma_wait3A_47 = arith.constant 0 : i32
        %dma_wait3A_48 = arith.constant 0 : i32
        %dma_wait3A_49 = tpu.memref_slice %arg4[%add3A_21, %dma_wait3A_47, %dma_wait3A_48] : memref<5120x1x128xi32, #tpu.memory_space<hbm>> -> memref<1x1x128xi32, #tpu.memory_space<hbm>>
        %dma_wait3A_50 = tpu.memref_squeeze %dma_wait3A_49 : memref<1x1x128xi32, #tpu.memory_space<hbm>> -> memref<1x128xi32, #tpu.memory_space<hbm>>
        tpu.wait_dma2 semaphore(%run_scoped3A_34 : memref<!tpu.dma_semaphore, #tpu.memory_space<semaphore_mem>>) src(%dma_wait3A_50 : memref<1x128xi32, #tpu.memory_space<hbm>>) dst(%arg8 : memref<1x128xi32, #tpu.memory_space<vmem>>)
        tpu.yield
      }) : () -> ()
      %dma_start3A = arith.constant 0 : i32
      %dma_start3A_22 = arith.constant 0 : i32
      %dma_start3A_23 = tpu.memref_slice %arg7[%dma_start3A, %dma_start3A_22] : memref<1x128xi32, #tpu.memory_space<vmem>> -> memref<1x128xi32, #tpu.memory_space<vmem>>
      %dma_start3A_24 = tpu.memref_squeeze %dma_start3A_23 : memref<1x128xi32, #tpu.memory_space<vmem>> -> memref<128xi32, #tpu.memory_space<vmem>>
      %dma_start3A_25 = arith.constant 0 : i32
      %dma_start3A_26 = arith.constant 0 : i32
      %dma_start3A_27 = tpu.memref_slice %arg2[%dma_start3A_25, %dma_start3A_26] : memref<10240x128xf32, #tpu.memory_space<hbm>> -> memref<10240x128xf32, #tpu.memory_space<hbm>>
      tpu.enqueue_indirect_dma source(%dma_start3A_27 : memref<10240x128xf32, #tpu.memory_space<hbm>>) target(%arg9 : memref<128x128xf32, #tpu.memory_space<vmem>>) offsets(%dma_start3A_24 : memref<128xi32, #tpu.memory_space<vmem>>) semaphore(%arg11 : memref<!tpu.dma_semaphore, #tpu.memory_space<semaphore_mem>>)
      %dma_wait3A = arith.constant 0 : i32
      %dma_wait3A_28 = arith.constant 0 : i32
      %dma_wait3A_29 = tpu.memref_slice %arg7[%dma_wait3A, %dma_wait3A_28] : memref<1x128xi32, #tpu.memory_space<vmem>> -> memref<1x128xi32, #tpu.memory_space<vmem>>
      %dma_wait3A_30 = tpu.memref_squeeze %dma_wait3A_29 : memref<1x128xi32, #tpu.memory_space<vmem>> -> memref<128xi32, #tpu.memory_space<vmem>>
      %dma_wait3A_31 = arith.constant 0 : i32
      %dma_wait3A_32 = arith.constant 0 : i32
      %dma_wait3A_33 = tpu.memref_slice %arg2[%dma_wait3A_31, %dma_wait3A_32] : memref<10240x128xf32, #tpu.memory_space<hbm>> -> memref<10240x128xf32, #tpu.memory_space<hbm>>
      tpu.wait_indirect_dma semaphore(%arg11 : memref<!tpu.dma_semaphore, #tpu.memory_space<semaphore_mem>>) src(%dma_wait3A_33 : memref<10240x128xf32, #tpu.memory_space<hbm>>) dst(%arg9 : memref<128x128xf32, #tpu.memory_space<vmem>>)
      %run_scoped3A = arith.constant 0 : i32
      "tpu.region"() ({
        %run_scoped3A_34 = tpu.sem_alloc : memref<!tpu.dma_semaphore, #tpu.memory_space<semaphore_mem>>
        %dma_start3A_35 = arith.constant 0 : i32
        %dma_start3A_36 = tpu.memref_slice %arg8[%run_scoped3A, %dma_start3A_35] : memref<1x128xi32, #tpu.memory_space<vmem>> -> memref<1x128xi32, #tpu.memory_space<vmem>>
        %dma_start3A_37 = tpu.memref_squeeze %dma_start3A_36 : memref<1x128xi32, #tpu.memory_space<vmem>> -> memref<128xi32, #tpu.memory_space<vmem>>
        %dma_start3A_38 = arith.constant 0 : i32
        %dma_start3A_39 = arith.constant 0 : i32
        %dma_start3A_40 = tpu.memref_slice %arg10[%dma_start3A_38, %dma_start3A_39] : memref<10240x128xf32, #tpu.memory_space<vmem_shared>> -> memref<10240x128xf32, #tpu.memory_space<vmem_shared>>
        tpu.enqueue_indirect_dma source(%arg9 : memref<128x128xf32, #tpu.memory_space<vmem>>) target(%dma_start3A_40 : memref<10240x128xf32, #tpu.memory_space<vmem_shared>>) offsets(%dma_start3A_37 : memref<128xi32, #tpu.memory_space<vmem>>) semaphore(%run_scoped3A_34 : memref<!tpu.dma_semaphore, #tpu.memory_space<semaphore_mem>>) {add = true}
        %dma_wait3A_41 = arith.constant 0 : i32
        %dma_wait3A_42 = tpu.memref_slice %arg8[%run_scoped3A, %dma_wait3A_41] : memref<1x128xi32, #tpu.memory_space<vmem>> -> memref<1x128xi32, #tpu.memory_space<vmem>>
        %dma_wait3A_43 = tpu.memref_squeeze %dma_wait3A_42 : memref<1x128xi32, #tpu.memory_space<vmem>> -> memref<128xi32, #tpu.memory_space<vmem>>
        %dma_wait3A_44 = arith.constant 0 : i32
        %dma_wait3A_45 = arith.constant 0 : i32
        %dma_wait3A_46 = tpu.memref_slice %arg10[%dma_wait3A_44, %dma_wait3A_45] : memref<10240x128xf32, #tpu.memory_space<vmem_shared>> -> memref<10240x128xf32, #tpu.memory_space<vmem_shared>>
        tpu.wait_indirect_dma semaphore(%run_scoped3A_34 : memref<!tpu.dma_semaphore, #tpu.memory_space<semaphore_mem>>) src(%arg9 : memref<128x128xf32, #tpu.memory_space<vmem>>) dst(%dma_wait3A_46 : memref<10240x128xf32, #tpu.memory_space<vmem_shared>>)
        tpu.yield
      }) : () -> ()
    }
    %scan3A_9 = arith.constant 160 : i32
    %barrier3A_10 = arith.constant 0 : index
    tpu.barrier barrier_id(%barrier3A_10)
    %mul3A_11 = arith.constant 640 : i32
    %mul3A_12 = arith.muli %arg1, %mul3A_11 : i32
    %mul3A_13 = arith.constant 640 : i32
    %mul3A_14 = arith.muli %arg1, %mul3A_13 : i32
    "tpu.region"() ({
      %run_scoped3A = tpu.sem_alloc : memref<!tpu.dma_semaphore, #tpu.memory_space<semaphore_mem>>
      %dma_start3A = arith.constant 0 : i32
      %dma_start3A_15 = tpu.memref_slice %arg6[%arg0, %mul3A_14, %dma_start3A] : memref<2x10240x128xf32, #tpu.memory_space<hbm>> -> memref<1x640x128xf32, #tpu.memory_space<hbm>>
      %dma_start3A_16 = tpu.memref_squeeze %dma_start3A_15 : memref<1x640x128xf32, #tpu.memory_space<hbm>> -> memref<640x128xf32, #tpu.memory_space<hbm>>
      %dma_start3A_17 = arith.constant 0 : i32
      %dma_start3A_18 = tpu.memref_slice %arg10[%mul3A_12, %dma_start3A_17] : memref<10240x128xf32, #tpu.memory_space<vmem_shared>> -> memref<640x128xf32, #tpu.memory_space<vmem_shared>>
      tpu.enqueue_dma source(%dma_start3A_18 : memref<640x128xf32, #tpu.memory_space<vmem_shared>>) target(%dma_start3A_16 : memref<640x128xf32, #tpu.memory_space<hbm>>) target_semaphore(%run_scoped3A : memref<!tpu.dma_semaphore, #tpu.memory_space<semaphore_mem>>)
      %dma_wait3A = arith.constant 0 : i32
      %dma_wait3A_19 = tpu.memref_slice %arg6[%arg0, %mul3A_14, %dma_wait3A] : memref<2x10240x128xf32, #tpu.memory_space<hbm>> -> memref<1x640x128xf32, #tpu.memory_space<hbm>>
      %dma_wait3A_20 = tpu.memref_squeeze %dma_wait3A_19 : memref<1x640x128xf32, #tpu.memory_space<hbm>> -> memref<640x128xf32, #tpu.memory_space<hbm>>
      %dma_wait3A_21 = arith.constant 0 : i32
      %dma_wait3A_22 = tpu.memref_slice %arg10[%mul3A_12, %dma_wait3A_21] : memref<10240x128xf32, #tpu.memory_space<vmem_shared>> -> memref<640x128xf32, #tpu.memory_space<vmem_shared>>
      tpu.wait_dma2 semaphore(%run_scoped3A : memref<!tpu.dma_semaphore, #tpu.memory_space<semaphore_mem>>) src(%dma_wait3A_22 : memref<640x128xf32, #tpu.memory_space<vmem_shared>>) dst(%dma_wait3A_20 : memref<640x128xf32, #tpu.memory_space<hbm>>)
      tpu.yield
    }) : () -> ()
    return
  }
}

#map = affine_map<(d0, d1) -> (0, 0)>
#map1 = affine_map<(d0, d1) -> (0, 0, 0)>
module attributes {stable_mosaic.version = 14 : i64} {
  func.func @segsum(%arg0: i32, %arg1: i32, %arg2: memref<10240x128xf32, #tpu.memory_space<hbm>>, %arg3: memref<5120x1x128xi32, #tpu.memory_space<hbm>>, %arg4: memref<5120x1x128xi32, #tpu.memory_space<hbm>>, %arg5: memref<10240x128xf32, #tpu.memory_space<hbm>>, %arg6: memref<2x10240x128xf32, #tpu.memory_space<hbm>>, %arg7: memref<1x128xi32, #tpu.memory_space<vmem>>, %arg8: memref<1x128xi32, #tpu.memory_space<vmem>>, %arg9: memref<128x128xf32, #tpu.memory_space<vmem>>, %arg10: memref<10240x128xf32, #tpu.memory_space<vmem_shared>>, %arg11: memref<!tpu.dma_semaphore, #tpu.memory_space<semaphore_mem>>) attributes {dimension_semantics = [#tpu.dimension_semantics<core_parallel>, #tpu.dimension_semantics<subcore_parallel>], iteration_bounds = array<i64: 2, 16>, scalar_prefetch = 0 : i64, scratch_operands = 5 : i64, tpu.core_type = #tpu.core_type<sc_vector_subcore>, window_params = [{transform_indices = #map}, {transform_indices = #map1}, {transform_indices = #map1}, {transform_indices = #map}, {transform_indices = #map1}]} {
    %mul3A = arith.constant 2 : i32
    %mul3A_0 = arith.muli %arg1, %mul3A : i32
    %add3A = arith.addi %mul3A_0, %arg0 : i32
    %mul3A_1 = arith.constant 640 : i32
    %mul3A_2 = arith.muli %arg1, %mul3A_1 : i32
    %mul3A_3 = arith.constant 640 : i32
    %mul3A_4 = arith.muli %arg1, %mul3A_3 : i32
    "tpu.region"() ({
      %run_scoped3A = tpu.sem_alloc : memref<!tpu.dma_semaphore, #tpu.memory_space<semaphore_mem>>
      %dma_start3A = arith.constant 0 : i32
      %dma_start3A_15 = tpu.memref_slice %arg10[%mul3A_4, %dma_start3A] : memref<10240x128xf32, #tpu.memory_space<vmem_shared>> -> memref<640x128xf32, #tpu.memory_space<vmem_shared>>
      %dma_start3A_16 = arith.constant 0 : i32
      %dma_start3A_17 = tpu.memref_slice %arg5[%mul3A_2, %dma_start3A_16] : memref<10240x128xf32, #tpu.memory_space<hbm>> -> memref<640x128xf32, #tpu.memory_space<hbm>>
      tpu.enqueue_dma source(%dma_start3A_17 : memref<640x128xf32, #tpu.memory_space<hbm>>) target(%dma_start3A_15 : memref<640x128xf32, #tpu.memory_space<vmem_shared>>) target_semaphore(%run_scoped3A : memref<!tpu.dma_semaphore, #tpu.memory_space<semaphore_mem>>)
      %dma_wait3A = arith.constant 0 : i32
      %dma_wait3A_18 = tpu.memref_slice %arg10[%mul3A_4, %dma_wait3A] : memref<10240x128xf32, #tpu.memory_space<vmem_shared>> -> memref<640x128xf32, #tpu.memory_space<vmem_shared>>
      %dma_wait3A_19 = arith.constant 0 : i32
      %dma_wait3A_20 = tpu.memref_slice %arg5[%mul3A_2, %dma_wait3A_19] : memref<10240x128xf32, #tpu.memory_space<hbm>> -> memref<640x128xf32, #tpu.memory_space<hbm>>
      tpu.wait_dma2 semaphore(%run_scoped3A : memref<!tpu.dma_semaphore, #tpu.memory_space<semaphore_mem>>) src(%dma_wait3A_20 : memref<640x128xf32, #tpu.memory_space<hbm>>) dst(%dma_wait3A_18 : memref<640x128xf32, #tpu.memory_space<vmem_shared>>)
      tpu.yield
    }) : () -> ()
    %barrier3A = arith.constant 0 : index
    tpu.barrier barrier_id(%barrier3A)
    %scan3A = arith.constant 0 : i32
    %scan3A_5 = arith.constant 0 : i32
    %scan3A_6 = arith.constant 160 : i32
    %scan3A_7 = arith.addi %scan3A_5, %scan3A_6 : i32
    %scan3A_8 = arith.constant 1 : i32
    scf.for %scan3A_15 = %scan3A_5 to %scan3A_7 step %scan3A_8  : i32 {
      %mul3A_16 = arith.constant 160 : i32
      %mul3A_17 = arith.muli %add3A, %mul3A_16 : i32
      %add3A_18 = arith.addi %mul3A_17, %scan3A_15 : i32
      "tpu.region"() ({
        %run_scoped3A_34 = tpu.sem_alloc : memref<!tpu.dma_semaphore, #tpu.memory_space<semaphore_mem>>
        %dma_start3A_35 = arith.constant 0 : i32
        %dma_start3A_36 = arith.constant 0 : i32
        %dma_start3A_37 = tpu.memref_slice %arg3[%add3A_18, %dma_start3A_35, %dma_start3A_36] : memref<5120x1x128xi32, #tpu.memory_space<hbm>> -> memref<1x1x128xi32, #tpu.memory_space<hbm>>
        %dma_start3A_38 = tpu.memref_squeeze %dma_start3A_37 : memref<1x1x128xi32, #tpu.memory_space<hbm>> -> memref<1x128xi32, #tpu.memory_space<hbm>>
        %dma_start3A_39 = arith.constant 0 : i32
        %dma_start3A_40 = arith.constant 0 : i32
        %dma_start3A_41 = tpu.memref_slice %arg3[%add3A_18, %dma_start3A_39, %dma_start3A_40] : memref<5120x1x128xi32, #tpu.memory_space<hbm>> -> memref<1x1x128xi32, #tpu.memory_space<hbm>>
        %dma_start3A_42 = tpu.memref_squeeze %dma_start3A_41 : memref<1x1x128xi32, #tpu.memory_space<hbm>> -> memref<1x128xi32, #tpu.memory_space<hbm>>
        tpu.enqueue_dma source(%dma_start3A_42 : memref<1x128xi32, #tpu.memory_space<hbm>>) target(%arg7 : memref<1x128xi32, #tpu.memory_space<vmem>>) target_semaphore(%run_scoped3A_34 : memref<!tpu.dma_semaphore, #tpu.memory_space<semaphore_mem>>)
        %dma_wait3A_43 = arith.constant 0 : i32
        %dma_wait3A_44 = arith.constant 0 : i32
        %dma_wait3A_45 = tpu.memref_slice %arg3[%add3A_18, %dma_wait3A_43, %dma_wait3A_44] : memref<5120x1x128xi32, #tpu.memory_space<hbm>> -> memref<1x1x128xi32, #tpu.memory_space<hbm>>
        %dma_wait3A_46 = tpu.memref_squeeze %dma_wait3A_45 : memref<1x1x128xi32, #tpu.memory_space<hbm>> -> memref<1x128xi32, #tpu.memory_space<hbm>>
        %dma_wait3A_47 = arith.constant 0 : i32
        %dma_wait3A_48 = arith.constant 0 : i32
        %dma_wait3A_49 = tpu.memref_slice %arg3[%add3A_18, %dma_wait3A_47, %dma_wait3A_48] : memref<5120x1x128xi32, #tpu.memory_space<hbm>> -> memref<1x1x128xi32, #tpu.memory_space<hbm>>
        %dma_wait3A_50 = tpu.memref_squeeze %dma_wait3A_49 : memref<1x1x128xi32, #tpu.memory_space<hbm>> -> memref<1x128xi32, #tpu.memory_space<hbm>>
        tpu.wait_dma2 semaphore(%run_scoped3A_34 : memref<!tpu.dma_semaphore, #tpu.memory_space<semaphore_mem>>) src(%dma_wait3A_50 : memref<1x128xi32, #tpu.memory_space<hbm>>) dst(%arg7 : memref<1x128xi32, #tpu.memory_space<vmem>>)
        tpu.yield
      }) : () -> ()
      %mul3A_19 = arith.constant 160 : i32
      %mul3A_20 = arith.muli %add3A, %mul3A_19 : i32
      %add3A_21 = arith.addi %mul3A_20, %scan3A_15 : i32
      "tpu.region"() ({
        %run_scoped3A_34 = tpu.sem_alloc : memref<!tpu.dma_semaphore, #tpu.memory_space<semaphore_mem>>
        %dma_start3A_35 = arith.constant 0 : i32
        %dma_start3A_36 = arith.constant 0 : i32
        %dma_start3A_37 = tpu.memref_slice %arg4[%add3A_21, %dma_start3A_35, %dma_start3A_36] : memref<5120x1x128xi32, #tpu.memory_space<hbm>> -> memref<1x1x128xi32, #tpu.memory_space<hbm>>
        %dma_start3A_38 = tpu.memref_squeeze %dma_start3A_37 : memref<1x1x128xi32, #tpu.memory_space<hbm>> -> memref<1x128xi32, #tpu.memory_space<hbm>>
        %dma_start3A_39 = arith.constant 0 : i32
        %dma_start3A_40 = arith.constant 0 : i32
        %dma_start3A_41 = tpu.memref_slice %arg4[%add3A_21, %dma_start3A_39, %dma_start3A_40] : memref<5120x1x128xi32, #tpu.memory_space<hbm>> -> memref<1x1x128xi32, #tpu.memory_space<hbm>>
        %dma_start3A_42 = tpu.memref_squeeze %dma_start3A_41 : memref<1x1x128xi32, #tpu.memory_space<hbm>> -> memref<1x128xi32, #tpu.memory_space<hbm>>
        tpu.enqueue_dma source(%dma_start3A_42 : memref<1x128xi32, #tpu.memory_space<hbm>>) target(%arg8 : memref<1x128xi32, #tpu.memory_space<vmem>>) target_semaphore(%run_scoped3A_34 : memref<!tpu.dma_semaphore, #tpu.memory_space<semaphore_mem>>)
        %dma_wait3A_43 = arith.constant 0 : i32
        %dma_wait3A_44 = arith.constant 0 : i32
        %dma_wait3A_45 = tpu.memref_slice %arg4[%add3A_21, %dma_wait3A_43, %dma_wait3A_44] : memref<5120x1x128xi32, #tpu.memory_space<hbm>> -> memref<1x1x128xi32, #tpu.memory_space<hbm>>
        %dma_wait3A_46 = tpu.memref_squeeze %dma_wait3A_45 : memref<1x1x128xi32, #tpu.memory_space<hbm>> -> memref<1x128xi32, #tpu.memory_space<hbm>>
        %dma_wait3A_47 = arith.constant 0 : i32
        %dma_wait3A_48 = arith.constant 0 : i32
        %dma_wait3A_49 = tpu.memref_slice %arg4[%add3A_21, %dma_wait3A_47, %dma_wait3A_48] : memref<5120x1x128xi32, #tpu.memory_space<hbm>> -> memref<1x1x128xi32, #tpu.memory_space<hbm>>
        %dma_wait3A_50 = tpu.memref_squeeze %dma_wait3A_49 : memref<1x1x128xi32, #tpu.memory_space<hbm>> -> memref<1x128xi32, #tpu.memory_space<hbm>>
        tpu.wait_dma2 semaphore(%run_scoped3A_34 : memref<!tpu.dma_semaphore, #tpu.memory_space<semaphore_mem>>) src(%dma_wait3A_50 : memref<1x128xi32, #tpu.memory_space<hbm>>) dst(%arg8 : memref<1x128xi32, #tpu.memory_space<vmem>>)
        tpu.yield
      }) : () -> ()
      %dma_start3A = arith.constant 0 : i32
      %dma_start3A_22 = arith.constant 0 : i32
      %dma_start3A_23 = tpu.memref_slice %arg7[%dma_start3A, %dma_start3A_22] : memref<1x128xi32, #tpu.memory_space<vmem>> -> memref<1x128xi32, #tpu.memory_space<vmem>>
      %dma_start3A_24 = tpu.memref_squeeze %dma_start3A_23 : memref<1x128xi32, #tpu.memory_space<vmem>> -> memref<128xi32, #tpu.memory_space<vmem>>
      %dma_start3A_25 = arith.constant 0 : i32
      %dma_start3A_26 = arith.constant 0 : i32
      %dma_start3A_27 = tpu.memref_slice %arg2[%dma_start3A_25, %dma_start3A_26] : memref<10240x128xf32, #tpu.memory_space<hbm>> -> memref<10240x128xf32, #tpu.memory_space<hbm>>
      tpu.enqueue_indirect_dma source(%dma_start3A_27 : memref<10240x128xf32, #tpu.memory_space<hbm>>) target(%arg9 : memref<128x128xf32, #tpu.memory_space<vmem>>) offsets(%dma_start3A_24 : memref<128xi32, #tpu.memory_space<vmem>>) semaphore(%arg11 : memref<!tpu.dma_semaphore, #tpu.memory_space<semaphore_mem>>)
      %dma_wait3A = arith.constant 0 : i32
      %dma_wait3A_28 = arith.constant 0 : i32
      %dma_wait3A_29 = tpu.memref_slice %arg7[%dma_wait3A, %dma_wait3A_28] : memref<1x128xi32, #tpu.memory_space<vmem>> -> memref<1x128xi32, #tpu.memory_space<vmem>>
      %dma_wait3A_30 = tpu.memref_squeeze %dma_wait3A_29 : memref<1x128xi32, #tpu.memory_space<vmem>> -> memref<128xi32, #tpu.memory_space<vmem>>
      %dma_wait3A_31 = arith.constant 0 : i32
      %dma_wait3A_32 = arith.constant 0 : i32
      %dma_wait3A_33 = tpu.memref_slice %arg2[%dma_wait3A_31, %dma_wait3A_32] : memref<10240x128xf32, #tpu.memory_space<hbm>> -> memref<10240x128xf32, #tpu.memory_space<hbm>>
      tpu.wait_indirect_dma semaphore(%arg11 : memref<!tpu.dma_semaphore, #tpu.memory_space<semaphore_mem>>) src(%dma_wait3A_33 : memref<10240x128xf32, #tpu.memory_space<hbm>>) dst(%arg9 : memref<128x128xf32, #tpu.memory_space<vmem>>)
      %run_scoped3A = arith.constant 0 : i32
      "tpu.region"() ({
        %run_scoped3A_34 = tpu.sem_alloc : memref<!tpu.dma_semaphore, #tpu.memory_space<semaphore_mem>>
        %dma_start3A_35 = arith.constant 0 : i32
        %dma_start3A_36 = tpu.memref_slice %arg8[%run_scoped3A, %dma_start3A_35] : memref<1x128xi32, #tpu.memory_space<vmem>> -> memref<1x128xi32, #tpu.memory_space<vmem>>
        %dma_start3A_37 = tpu.memref_squeeze %dma_start3A_36 : memref<1x128xi32, #tpu.memory_space<vmem>> -> memref<128xi32, #tpu.memory_space<vmem>>
        %dma_start3A_38 = arith.constant 0 : i32
        %dma_start3A_39 = arith.constant 0 : i32
        %dma_start3A_40 = tpu.memref_slice %arg10[%dma_start3A_38, %dma_start3A_39] : memref<10240x128xf32, #tpu.memory_space<vmem_shared>> -> memref<10240x128xf32, #tpu.memory_space<vmem_shared>>
        tpu.enqueue_indirect_dma source(%arg9 : memref<128x128xf32, #tpu.memory_space<vmem>>) target(%dma_start3A_40 : memref<10240x128xf32, #tpu.memory_space<vmem_shared>>) offsets(%dma_start3A_37 : memref<128xi32, #tpu.memory_space<vmem>>) semaphore(%run_scoped3A_34 : memref<!tpu.dma_semaphore, #tpu.memory_space<semaphore_mem>>) {add = true}
        %dma_wait3A_41 = arith.constant 0 : i32
        %dma_wait3A_42 = tpu.memref_slice %arg8[%run_scoped3A, %dma_wait3A_41] : memref<1x128xi32, #tpu.memory_space<vmem>> -> memref<1x128xi32, #tpu.memory_space<vmem>>
        %dma_wait3A_43 = tpu.memref_squeeze %dma_wait3A_42 : memref<1x128xi32, #tpu.memory_space<vmem>> -> memref<128xi32, #tpu.memory_space<vmem>>
        %dma_wait3A_44 = arith.constant 0 : i32
        %dma_wait3A_45 = arith.constant 0 : i32
        %dma_wait3A_46 = tpu.memref_slice %arg10[%dma_wait3A_44, %dma_wait3A_45] : memref<10240x128xf32, #tpu.memory_space<vmem_shared>> -> memref<10240x128xf32, #tpu.memory_space<vmem_shared>>
        tpu.wait_indirect_dma semaphore(%run_scoped3A_34 : memref<!tpu.dma_semaphore, #tpu.memory_space<semaphore_mem>>) src(%arg9 : memref<128x128xf32, #tpu.memory_space<vmem>>) dst(%dma_wait3A_46 : memref<10240x128xf32, #tpu.memory_space<vmem_shared>>)
        tpu.yield
      }) : () -> ()
    }
    %scan3A_9 = arith.constant 160 : i32
    %barrier3A_10 = arith.constant 0 : index
    tpu.barrier barrier_id(%barrier3A_10)
    %mul3A_11 = arith.constant 640 : i32
    %mul3A_12 = arith.muli %arg1, %mul3A_11 : i32
    %mul3A_13 = arith.constant 640 : i32
    %mul3A_14 = arith.muli %arg1, %mul3A_13 : i32
    "tpu.region"() ({
      %run_scoped3A = tpu.sem_alloc : memref<!tpu.dma_semaphore, #tpu.memory_space<semaphore_mem>>
      %dma_start3A = arith.constant 0 : i32
      %dma_start3A_15 = tpu.memref_slice %arg6[%arg0, %mul3A_14, %dma_start3A] : memref<2x10240x128xf32, #tpu.memory_space<hbm>> -> memref<1x640x128xf32, #tpu.memory_space<hbm>>
      %dma_start3A_16 = tpu.memref_squeeze %dma_start3A_15 : memref<1x640x128xf32, #tpu.memory_space<hbm>> -> memref<640x128xf32, #tpu.memory_space<hbm>>
      %dma_start3A_17 = arith.constant 0 : i32
      %dma_start3A_18 = tpu.memref_slice %arg10[%mul3A_12, %dma_start3A_17] : memref<10240x128xf32, #tpu.memory_space<vmem_shared>> -> memref<640x128xf32, #tpu.memory_space<vmem_shared>>
      tpu.enqueue_dma source(%dma_start3A_18 : memref<640x128xf32, #tpu.memory_space<vmem_shared>>) target(%dma_start3A_16 : memref<640x128xf32, #tpu.memory_space<hbm>>) target_semaphore(%run_scoped3A : memref<!tpu.dma_semaphore, #tpu.memory_space<semaphore_mem>>)
      %dma_wait3A = arith.constant 0 : i32
      %dma_wait3A_19 = tpu.memref_slice %arg6[%arg0, %mul3A_14, %dma_wait3A] : memref<2x10240x128xf32, #tpu.memory_space<hbm>> -> memref<1x640x128xf32, #tpu.memory_space<hbm>>
      %dma_wait3A_20 = tpu.memref_squeeze %dma_wait3A_19 : memref<1x640x128xf32, #tpu.memory_space<hbm>> -> memref<640x128xf32, #tpu.memory_space<hbm>>
      %dma_wait3A_21 = arith.constant 0 : i32
      %dma_wait3A_22 = tpu.memref_slice %arg10[%mul3A_12, %dma_wait3A_21] : memref<10240x128xf32, #tpu.memory_space<vmem_shared>> -> memref<640x128xf32, #tpu.memory_space<vmem_shared>>
      tpu.wait_dma2 semaphore(%run_scoped3A : memref<!tpu.dma_semaphore, #tpu.memory_space<semaphore_mem>>) src(%dma_wait3A_22 : memref<640x128xf32, #tpu.memory_space<vmem_shared>>) dst(%dma_wait3A_20 : memref<640x128xf32, #tpu.memory_space<hbm>>)
      tpu.yield
    }) : () -> ()
    return
  }
}

#map = affine_map<(d0, d1) -> (0, 0)>
#map1 = affine_map<(d0, d1) -> (0)>
module attributes {stable_mosaic.version = 14 : i64} {
  func.func @rowgather(%arg0: i32, %arg1: i32, %arg2: memref<10240x128xf32, #tpu.memory_space<hbm>>, %arg3: memref<512xi32, #tpu.memory_space<hbm>>, %arg4: memref<512x128xf32, #tpu.memory_space<hbm>>, %arg5: memref<16xi32, #tpu.memory_space<vmem>>, %arg6: memref<16x128xf32, #tpu.memory_space<vmem>>, %arg7: memref<!tpu.dma_semaphore, #tpu.memory_space<semaphore_mem>>) attributes {dimension_semantics = [#tpu.dimension_semantics<core_parallel>, #tpu.dimension_semantics<subcore_parallel>], iteration_bounds = array<i64: 2, 16>, scalar_prefetch = 0 : i64, scratch_operands = 3 : i64, tpu.core_type = #tpu.core_type<sc_vector_subcore>, window_params = [{transform_indices = #map}, {transform_indices = #map1}, {transform_indices = #map}]} {
    %mul3A = arith.constant 2 : i32
    %mul3A_0 = arith.muli %arg1, %mul3A : i32
    %add3A = arith.addi %mul3A_0, %arg0 : i32
    %mul3A_1 = arith.constant 16 : i32
    %mul3A_2 = arith.muli %add3A, %mul3A_1 : i32
    "tpu.region"() ({
      %run_scoped3A = tpu.sem_alloc : memref<!tpu.dma_semaphore, #tpu.memory_space<semaphore_mem>>
      %dma_start3A_9 = tpu.memref_slice %arg3[%mul3A_2] : memref<512xi32, #tpu.memory_space<hbm>> -> memref<16xi32, #tpu.memory_space<hbm>>
      %dma_start3A_10 = tpu.memref_slice %arg3[%mul3A_2] : memref<512xi32, #tpu.memory_space<hbm>> -> memref<16xi32, #tpu.memory_space<hbm>>
      tpu.enqueue_dma source(%dma_start3A_10 : memref<16xi32, #tpu.memory_space<hbm>>) target(%arg5 : memref<16xi32, #tpu.memory_space<vmem>>) target_semaphore(%run_scoped3A : memref<!tpu.dma_semaphore, #tpu.memory_space<semaphore_mem>>)
      %dma_wait3A_11 = tpu.memref_slice %arg3[%mul3A_2] : memref<512xi32, #tpu.memory_space<hbm>> -> memref<16xi32, #tpu.memory_space<hbm>>
      %dma_wait3A_12 = tpu.memref_slice %arg3[%mul3A_2] : memref<512xi32, #tpu.memory_space<hbm>> -> memref<16xi32, #tpu.memory_space<hbm>>
      tpu.wait_dma2 semaphore(%run_scoped3A : memref<!tpu.dma_semaphore, #tpu.memory_space<semaphore_mem>>) src(%dma_wait3A_12 : memref<16xi32, #tpu.memory_space<hbm>>) dst(%arg5 : memref<16xi32, #tpu.memory_space<vmem>>)
      tpu.yield
    }) : () -> ()
    %dma_start3A = arith.constant 0 : i32
    %dma_start3A_3 = arith.constant 0 : i32
    %dma_start3A_4 = tpu.memref_slice %arg2[%dma_start3A, %dma_start3A_3] : memref<10240x128xf32, #tpu.memory_space<hbm>> -> memref<10240x128xf32, #tpu.memory_space<hbm>>
    tpu.enqueue_indirect_dma source(%dma_start3A_4 : memref<10240x128xf32, #tpu.memory_space<hbm>>) target(%arg6 : memref<16x128xf32, #tpu.memory_space<vmem>>) offsets(%arg5 : memref<16xi32, #tpu.memory_space<vmem>>) semaphore(%arg7 : memref<!tpu.dma_semaphore, #tpu.memory_space<semaphore_mem>>)
    %dma_wait3A = arith.constant 0 : i32
    %dma_wait3A_5 = arith.constant 0 : i32
    %dma_wait3A_6 = tpu.memref_slice %arg2[%dma_wait3A, %dma_wait3A_5] : memref<10240x128xf32, #tpu.memory_space<hbm>> -> memref<10240x128xf32, #tpu.memory_space<hbm>>
    tpu.wait_indirect_dma semaphore(%arg7 : memref<!tpu.dma_semaphore, #tpu.memory_space<semaphore_mem>>) src(%dma_wait3A_6 : memref<10240x128xf32, #tpu.memory_space<hbm>>) dst(%arg6 : memref<16x128xf32, #tpu.memory_space<vmem>>)
    %mul3A_7 = arith.constant 16 : i32
    %mul3A_8 = arith.muli %add3A, %mul3A_7 : i32
    "tpu.region"() ({
      %run_scoped3A = tpu.sem_alloc : memref<!tpu.dma_semaphore, #tpu.memory_space<semaphore_mem>>
      %dma_start3A_9 = arith.constant 0 : i32
      %dma_start3A_10 = tpu.memref_slice %arg4[%mul3A_8, %dma_start3A_9] : memref<512x128xf32, #tpu.memory_space<hbm>> -> memref<16x128xf32, #tpu.memory_space<hbm>>
      %dma_start3A_11 = arith.constant 0 : i32
      %dma_start3A_12 = tpu.memref_slice %arg4[%mul3A_8, %dma_start3A_11] : memref<512x128xf32, #tpu.memory_space<hbm>> -> memref<16x128xf32, #tpu.memory_space<hbm>>
      tpu.enqueue_dma source(%arg6 : memref<16x128xf32, #tpu.memory_space<vmem>>) target(%dma_start3A_12 : memref<16x128xf32, #tpu.memory_space<hbm>>) target_semaphore(%run_scoped3A : memref<!tpu.dma_semaphore, #tpu.memory_space<semaphore_mem>>)
      %dma_wait3A_13 = arith.constant 0 : i32
      %dma_wait3A_14 = tpu.memref_slice %arg4[%mul3A_8, %dma_wait3A_13] : memref<512x128xf32, #tpu.memory_space<hbm>> -> memref<16x128xf32, #tpu.memory_space<hbm>>
      %dma_wait3A_15 = arith.constant 0 : i32
      %dma_wait3A_16 = tpu.memref_slice %arg4[%mul3A_8, %dma_wait3A_15] : memref<512x128xf32, #tpu.memory_space<hbm>> -> memref<16x128xf32, #tpu.memory_space<hbm>>
      tpu.wait_dma2 semaphore(%run_scoped3A : memref<!tpu.dma_semaphore, #tpu.memory_space<semaphore_mem>>) src(%arg6 : memref<16x128xf32, #tpu.memory_space<vmem>>) dst(%dma_wait3A_16 : memref<16x128xf32, #tpu.memory_space<hbm>>)
      tpu.yield
    }) : () -> ()
    return
  }
}

module attributes {stable_mosaic.version = 14 : i64} {
  func.func @_in_proj_body(%arg0: i32, %arg1: memref<1024x128xf32, #tpu.memory_space<vmem>>, %arg2: memref<1024x128xf32, #tpu.memory_space<vmem>>, %arg3: memref<128x128xf32, #tpu.memory_space<vmem>>, %arg4: memref<1x128xf32, #tpu.memory_space<vmem>>, %arg5: memref<128x128xf32, #tpu.memory_space<vmem>>, %arg6: memref<1x128xf32, #tpu.memory_space<vmem>>, %arg7: memref<1024x128xf32, #tpu.memory_space<vmem>>, %arg8: memref<1024x128xf32, #tpu.memory_space<vmem>>) attributes {dimension_semantics = [#tpu.dimension_semantics<arbitrary>], iteration_bounds = array<i64: 10>, scalar_prefetch = 0 : i64, scratch_operands = 0 : i64, tpu.core_type = #tpu.core_type<tc>, window_params = [{transform_indices = @transform_0, window_bounds = array<i64: 1024, 128>}, {transform_indices = @transform_1, window_bounds = array<i64: 1024, 128>}, {pipeline_mode = #tpu.pipeline_mode<synchronous>, transform_indices = @transform_2, window_bounds = array<i64: 128, 128>}, {pipeline_mode = #tpu.pipeline_mode<synchronous>, transform_indices = @transform_3, window_bounds = array<i64: 1, 128>}, {pipeline_mode = #tpu.pipeline_mode<synchronous>, transform_indices = @transform_4, window_bounds = array<i64: 128, 128>}, {pipeline_mode = #tpu.pipeline_mode<synchronous>, transform_indices = @transform_5, window_bounds = array<i64: 1, 128>}, {transform_indices = @transform_6, window_bounds = array<i64: 1024, 128>}, {transform_indices = @transform_7, window_bounds = array<i64: 1024, 128>}]} {
    %get3A = arith.constant 0 : index
    %get3A_0 = arith.constant 0 : index
    %get3A_1 = vector.load %arg1[%get3A, %get3A_0] : memref<1024x128xf32, #tpu.memory_space<vmem>>, vector<1024x128xf32>
    %get3A_2 = arith.constant 0 : index
    %get3A_3 = arith.constant 0 : index
    %get3A_4 = vector.load %arg3[%get3A_2, %get3A_3] : memref<128x128xf32, #tpu.memory_space<vmem>>, vector<128x128xf32>
    %dot_general3A = arith.constant dense<0.000000e+00> : vector<1024x128xf32>
    %dot_general3A_5 = tpu.matmul %get3A_1, %get3A_4, %dot_general3A {dimension_numbers = #tpu.dot_dimension_numbers<[1], [1], [0], [0], [0, 0, 1, 0], [], []>, transpose_lhs_hint = false} : vector<1024x128xf32>, vector<128x128xf32>, vector<1024x128xf32> -> vector<1024x128xf32>
    %get3A_6 = arith.constant 0 : index
    %get3A_7 = arith.constant 0 : index
    %get3A_8 = vector.load %arg4[%get3A_6, %get3A_7] : memref<1x128xf32, #tpu.memory_space<vmem>>, vector<1x128xf32>
    %add3A = vector.broadcast %get3A_8 : vector<1x128xf32> to vector<1024x128xf32>
    %add3A_9 = arith.addf %dot_general3A_5, %add3A : vector<1024x128xf32>
    %swap3A = arith.constant 0 : index
    %swap3A_10 = arith.constant 0 : index
    %swap3A_11 = vector.load %arg7[%swap3A, %swap3A_10] : memref<1024x128xf32, #tpu.memory_space<vmem>>, vector<1024x128xf32>
    tpu.vector_store %arg7[%swap3A, %swap3A_10], %add3A_9 {strides = array<i32>} : memref<1024x128xf32, #tpu.memory_space<vmem>>, vector<1024x128xf32>,
    %get3A_12 = arith.constant 0 : index
    %get3A_13 = arith.constant 0 : index
    %get3A_14 = vector.load %arg2[%get3A_12, %get3A_13] : memref<1024x128xf32, #tpu.memory_space<vmem>>, vector<1024x128xf32>
    %get3A_15 = arith.constant 0 : index
    %get3A_16 = arith.constant 0 : index
    %get3A_17 = vector.load %arg5[%get3A_15, %get3A_16] : memref<128x128xf32, #tpu.memory_space<vmem>>, vector<128x128xf32>
    %dot_general3A_18 = arith.constant dense<0.000000e+00> : vector<1024x128xf32>
    %dot_general3A_19 = tpu.matmul %get3A_14, %get3A_17, %dot_general3A_18 {dimension_numbers = #tpu.dot_dimension_numbers<[1], [1], [0], [0], [0, 0, 1, 0], [], []>, transpose_lhs_hint = false} : vector<1024x128xf32>, vector<128x128xf32>, vector<1024x128xf32> -> vector<1024x128xf32>
    %get3A_20 = arith.constant 0 : index
    %get3A_21 = arith.constant 0 : index
    %get3A_22 = vector.load %arg6[%get3A_20, %get3A_21] : memref<1x128xf32, #tpu.memory_space<vmem>>, vector<1x128xf32>
    %add3A_23 = vector.broadcast %get3A_22 : vector<1x128xf32> to vector<1024x128xf32>
    %add3A_24 = arith.addf %dot_general3A_19, %add3A_23 : vector<1024x128xf32>
    %swap3A_25 = arith.constant 0 : index
    %swap3A_26 = arith.constant 0 : index
    %swap3A_27 = vector.load %arg8[%swap3A_25, %swap3A_26] : memref<1024x128xf32, #tpu.memory_space<vmem>>, vector<1024x128xf32>
    tpu.vector_store %arg8[%swap3A_25, %swap3A_26], %add3A_24 {strides = array<i32>} : memref<1024x128xf32, #tpu.memory_space<vmem>>, vector<1024x128xf32>,
    return
  }
  func.func @transform_0(%arg0: i32) -> (i32, i32) {
    %c0_i32 = arith.constant 0 : i32
    %c0_i32_0 = arith.constant 0 : i32
    return %arg0, %c0_i32 : i32, i32
  }
  func.func @transform_1(%arg0: i32) -> (i32, i32) {
    %c0_i32 = arith.constant 0 : i32
    %c0_i32_0 = arith.constant 0 : i32
    return %arg0, %c0_i32 : i32, i32
  }
  func.func @transform_2(%arg0: i32) -> (i32, i32) {
    %c0_i32 = arith.constant 0 : i32
    %c0_i32_0 = arith.constant 0 : i32
    %c0_i32_1 = arith.constant 0 : i32
    return %c0_i32, %c0_i32_0 : i32, i32
  }
  func.func @transform_3(%arg0: i32) -> (i32, i32) {
    %c0_i32 = arith.constant 0 : i32
    %c0_i32_0 = arith.constant 0 : i32
    %c0_i32_1 = arith.constant 0 : i32
    return %c0_i32, %c0_i32_0 : i32, i32
  }
  func.func @transform_4(%arg0: i32) -> (i32, i32) {
    %c0_i32 = arith.constant 0 : i32
    %c0_i32_0 = arith.constant 0 : i32
    %c0_i32_1 = arith.constant 0 : i32
    return %c0_i32, %c0_i32_0 : i32, i32
  }
  func.func @transform_5(%arg0: i32) -> (i32, i32) {
    %c0_i32 = arith.constant 0 : i32
    %c0_i32_0 = arith.constant 0 : i32
    %c0_i32_1 = arith.constant 0 : i32
    return %c0_i32, %c0_i32_0 : i32, i32
  }
  func.func @transform_6(%arg0: i32) -> (i32, i32) {
    %c0_i32 = arith.constant 0 : i32
    %c0_i32_0 = arith.constant 0 : i32
    return %arg0, %c0_i32 : i32, i32
  }
  func.func @transform_7(%arg0: i32) -> (i32, i32) {
    %c0_i32 = arith.constant 0 : i32
    %c0_i32_0 = arith.constant 0 : i32
    return %arg0, %c0_i32 : i32, i32
  }
}

module attributes {stable_mosaic.version = 14 : i64} {
  func.func @_layer_body(%arg0: i32, %arg1: memref<1024x128xf32, #tpu.memory_space<vmem>>, %arg2: memref<2x1024x128xf32, #tpu.memory_space<vmem>>, %arg3: memref<2x1024x128xf32, #tpu.memory_space<vmem>>, %arg4: memref<128x256xf32, #tpu.memory_space<vmem>>, %arg5: memref<1x128xf32, #tpu.memory_space<vmem>>, %arg6: memref<1024x128xf32, #tpu.memory_space<vmem>>) attributes {dimension_semantics = [#tpu.dimension_semantics<arbitrary>], iteration_bounds = array<i64: 10>, scalar_prefetch = 0 : i64, scratch_operands = 0 : i64, tpu.core_type = #tpu.core_type<tc>, window_params = [{transform_indices = @transform_0, window_bounds = array<i64: 1024, 128>}, {transform_indices = @transform_1, window_bounds = array<i64: 2, 1024, 128>}, {transform_indices = @transform_2, window_bounds = array<i64: 2, 1024, 128>}, {pipeline_mode = #tpu.pipeline_mode<synchronous>, transform_indices = @transform_3, window_bounds = array<i64: 128, 256>}, {pipeline_mode = #tpu.pipeline_mode<synchronous>, transform_indices = @transform_4, window_bounds = array<i64: 1, 128>}, {transform_indices = @transform_5, window_bounds = array<i64: 1024, 128>}]} {
    %get3A = arith.constant 0 : index
    %get3A_0 = arith.constant 0 : index
    %get3A_1 = arith.constant 0 : index
    %get3A_2 = vector.load %arg2[%get3A, %get3A_0, %get3A_1] : memref<2x1024x128xf32, #tpu.memory_space<vmem>>, vector<1x1024x128xf32>
    %get3A_3 = vector.shape_cast %get3A_2 : vector<1x1024x128xf32> to vector<1024x128xf32>
    %get3A_4 = arith.constant 1 : index
    %get3A_5 = arith.constant 0 : index
    %get3A_6 = arith.constant 0 : index
    %get3A_7 = vector.load %arg2[%get3A_4, %get3A_5, %get3A_6] : memref<2x1024x128xf32, #tpu.memory_space<vmem>>, vector<1x1024x128xf32>
    %get3A_8 = vector.shape_cast %get3A_7 : vector<1x1024x128xf32> to vector<1024x128xf32>
    %add3A = arith.addf %get3A_3, %get3A_8 : vector<1024x128xf32>
    %get3A_9 = arith.constant 0 : index
    %get3A_10 = arith.constant 0 : index
    %get3A_11 = arith.constant 0 : index
    %get3A_12 = vector.load %arg3[%get3A_9, %get3A_10, %get3A_11] : memref<2x1024x128xf32, #tpu.memory_space<vmem>>, vector<1x1024x128xf32>
    %get3A_13 = vector.shape_cast %get3A_12 : vector<1x1024x128xf32> to vector<1024x128xf32>
    %add3A_14 = arith.addf %add3A, %get3A_13 : vector<1024x128xf32>
    %get3A_15 = arith.constant 1 : index
    %get3A_16 = arith.constant 0 : index
    %get3A_17 = arith.constant 0 : index
    %get3A_18 = vector.load %arg3[%get3A_15, %get3A_16, %get3A_17] : memref<2x1024x128xf32, #tpu.memory_space<vmem>>, vector<1x1024x128xf32>
    %get3A_19 = vector.shape_cast %get3A_18 : vector<1x1024x128xf32> to vector<1024x128xf32>
    %add3A_20 = arith.addf %add3A_14, %get3A_19 : vector<1024x128xf32>
    %get3A_21 = arith.constant 0 : index
    %get3A_22 = arith.constant 0 : index
    %get3A_23 = vector.load %arg1[%get3A_21, %get3A_22] : memref<1024x128xf32, #tpu.memory_space<vmem>>, vector<1024x128xf32>
    %get3A_24 = arith.constant 0 : index
    %get3A_25 = arith.constant 0 : index
    %get3A_26 = vector.load %arg4[%get3A_24, %get3A_25] : memref<128x256xf32, #tpu.memory_space<vmem>>, vector<128x256xf32>
    %slice3A = vector.extract_strided_slice %get3A_26 {offsets = [0, 0], sizes = [128, 128], strides = [1, 1]} : vector<128x256xf32> to vector<128x128xf32>
    %dot_general3A = arith.constant dense<0.000000e+00> : vector<1024x128xf32>
    %dot_general3A_27 = tpu.matmul %get3A_23, %slice3A, %dot_general3A {dimension_numbers = #tpu.dot_dimension_numbers<[1], [1], [0], [0], [0, 0, 1, 0], [], []>, transpose_lhs_hint = false} : vector<1024x128xf32>, vector<128x128xf32>, vector<1024x128xf32> -> vector<1024x128xf32>
    %slice3A_28 = vector.extract_strided_slice %get3A_26 {offsets = [0, 128], sizes = [128, 128], strides = [1, 1]} : vector<128x256xf32> to vector<128x128xf32>
    %dot_general3A_29 = arith.constant dense<0.000000e+00> : vector<1024x128xf32>
    %dot_general3A_30 = tpu.matmul %add3A_20, %slice3A_28, %dot_general3A_29 {dimension_numbers = #tpu.dot_dimension_numbers<[1], [1], [0], [0], [0, 0, 1, 0], [], []>, transpose_lhs_hint = false} : vector<1024x128xf32>, vector<128x128xf32>, vector<1024x128xf32> -> vector<1024x128xf32>
    %add3A_31 = arith.addf %dot_general3A_27, %dot_general3A_30 : vector<1024x128xf32>
    %get3A_32 = arith.constant 0 : index
    %get3A_33 = arith.constant 0 : index
    %get3A_34 = vector.load %arg5[%get3A_32, %get3A_33] : memref<1x128xf32, #tpu.memory_space<vmem>>, vector<1x128xf32>
    %add3A_35 = vector.broadcast %get3A_34 : vector<1x128xf32> to vector<1024x128xf32>
    %add3A_36 = arith.addf %add3A_31, %add3A_35 : vector<1024x128xf32>
    %logistic3A = arith.negf %add3A_36 : vector<1024x128xf32>
    %logistic3A_37 = math.exp %logistic3A : vector<1024x128xf32>
    %logistic3A_38 = arith.constant 1.000000e+00 : f32
    %logistic3A_39 = vector.broadcast %logistic3A_38 : f32 to vector<1024x128xf32>
    %logistic3A_40 = arith.addf %logistic3A_39, %logistic3A_37 : vector<1024x128xf32>
    %logistic3A_41 = arith.divf %logistic3A_39, %logistic3A_40 : vector<1024x128xf32>
    %mul3A = arith.mulf %add3A_36, %logistic3A_41 : vector<1024x128xf32>
    %add3A_42 = arith.addf %get3A_23, %mul3A : vector<1024x128xf32>
    %swap3A = arith.constant 0 : index
    %swap3A_43 = arith.constant 0 : index
    %swap3A_44 = vector.load %arg6[%swap3A, %swap3A_43] : memref<1024x128xf32, #tpu.memory_space<vmem>>, vector<1024x128xf32>
    tpu.vector_store %arg6[%swap3A, %swap3A_43], %add3A_42 {strides = array<i32>} : memref<1024x128xf32, #tpu.memory_space<vmem>>, vector<1024x128xf32>,
    return
  }
  func.func @transform_0(%arg0: i32) -> (i32, i32) {
    %c0_i32 = arith.constant 0 : i32
    %c0_i32_0 = arith.constant 0 : i32
    return %arg0, %c0_i32 : i32, i32
  }
  func.func @transform_1(%arg0: i32) -> (i32, i32, i32) {
    %c0_i32 = arith.constant 0 : i32
    %c0_i32_0 = arith.constant 0 : i32
    %c0_i32_1 = arith.constant 0 : i32
    return %c0_i32, %arg0, %c0_i32_0 : i32, i32, i32
  }
  func.func @transform_2(%arg0: i32) -> (i32, i32, i32) {
    %c0_i32 = arith.constant 0 : i32
    %c0_i32_0 = arith.constant 0 : i32
    %c0_i32_1 = arith.constant 0 : i32
    return %c0_i32, %arg0, %c0_i32_0 : i32, i32, i32
  }
  func.func @transform_3(%arg0: i32) -> (i32, i32) {
    %c0_i32 = arith.constant 0 : i32
    %c0_i32_0 = arith.constant 0 : i32
    %c0_i32_1 = arith.constant 0 : i32
    return %c0_i32, %c0_i32_0 : i32, i32
  }
  func.func @transform_4(%arg0: i32) -> (i32, i32) {
    %c0_i32 = arith.constant 0 : i32
    %c0_i32_0 = arith.constant 0 : i32
    %c0_i32_1 = arith.constant 0 : i32
    return %c0_i32, %c0_i32_0 : i32, i32
  }
  func.func @transform_5(%arg0: i32) -> (i32, i32) {
    %c0_i32 = arith.constant 0 : i32
    %c0_i32_0 = arith.constant 0 : i32
    return %arg0, %c0_i32 : i32, i32
  }
}

module attributes {stable_mosaic.version = 14 : i64} {
  func.func @_final_body(%arg0: i32, %arg1: memref<1024x128xf32, #tpu.memory_space<vmem>>, %arg2: memref<1x1x1024xi32, #tpu.memory_space<vmem>>, %arg3: memref<1x128xf32, #tpu.memory_space<vmem>>, %arg4: memref<1x128xf32, #tpu.memory_space<vmem>>, %arg5: memref<128x128xf32, #tpu.memory_space<vmem>>, %arg6: memref<1x128xf32, #tpu.memory_space<vmem>>, %arg7: memref<1024x128xf32, #tpu.memory_space<vmem>>, %arg8: memref<16x128xf32, #tpu.memory_space<vmem>>, %arg9: memref<16x128xf32, #tpu.memory_space<vmem>>, %arg10: memref<16x128xf32, #tpu.memory_space<vmem>>) attributes {dimension_semantics = [#tpu.dimension_semantics<arbitrary>], iteration_bounds = array<i64: 10>, scalar_prefetch = 0 : i64, scratch_operands = 2 : i64, tpu.core_type = #tpu.core_type<tc>, window_params = [{transform_indices = @transform_0, window_bounds = array<i64: 1024, 128>}, {transform_indices = @transform_1, window_bounds = array<i64: 1, 1, 1024>}, {pipeline_mode = #tpu.pipeline_mode<synchronous>, transform_indices = @transform_2, window_bounds = array<i64: 1, 128>}, {pipeline_mode = #tpu.pipeline_mode<synchronous>, transform_indices = @transform_3, window_bounds = array<i64: 1, 128>}, {pipeline_mode = #tpu.pipeline_mode<synchronous>, transform_indices = @transform_4, window_bounds = array<i64: 128, 128>}, {pipeline_mode = #tpu.pipeline_mode<synchronous>, transform_indices = @transform_5, window_bounds = array<i64: 1, 128>}, {transform_indices = @transform_6, window_bounds = array<i64: 1024, 128>}, {pipeline_mode = #tpu.pipeline_mode<synchronous>, transform_indices = @transform_7, window_bounds = array<i64: 16, 128>}]} {
    %get3A = arith.constant 0 : index
    %get3A_0 = arith.constant 0 : index
    %get3A_1 = vector.load %arg1[%get3A, %get3A_0] : memref<1024x128xf32, #tpu.memory_space<vmem>>, vector<1024x128xf32>
    %reduce_sum3A = arith.constant dense<0.000000e+00> : vector<1024xf32>
    %reduce_sum3A_2 = vector.multi_reduction <add>, %get3A_1, %reduce_sum3A [1] : vector<1024x128xf32> to vector<1024xf32>
    %broadcast_in_dim3A = vector.shape_cast %reduce_sum3A_2 : vector<1024xf32> to vector<1024x1xf32>
    %div3A = arith.constant 1.280000e+02 : f32
    %div3A_3 = vector.broadcast %div3A : f32 to vector<1024x1xf32>
    %div3A_4 = arith.divf %broadcast_in_dim3A, %div3A_3 : vector<1024x1xf32>
    %sub3A = vector.broadcast %div3A_4 : vector<1024x1xf32> to vector<1024x128xf32>
    %sub3A_5 = arith.subf %get3A_1, %sub3A : vector<1024x128xf32>
    %integer_pow3A = arith.mulf %sub3A_5, %sub3A_5 : vector<1024x128xf32>
    %reduce_sum3A_6 = arith.constant dense<0.000000e+00> : vector<1024xf32>
    %reduce_sum3A_7 = vector.multi_reduction <add>, %integer_pow3A, %reduce_sum3A_6 [1] : vector<1024x128xf32> to vector<1024xf32>
    %broadcast_in_dim3A_8 = vector.shape_cast %reduce_sum3A_7 : vector<1024xf32> to vector<1024x1xf32>
    %div3A_9 = arith.constant 1.280000e+02 : f32
    %div3A_10 = vector.broadcast %div3A_9 : f32 to vector<1024x1xf32>
    %div3A_11 = arith.divf %broadcast_in_dim3A_8, %div3A_10 : vector<1024x1xf32>
    %sub3A_12 = vector.broadcast %div3A_4 : vector<1024x1xf32> to vector<1024x128xf32>
    %sub3A_13 = arith.subf %get3A_1, %sub3A_12 : vector<1024x128xf32>
    %add3A = arith.constant 9.99999974E-6 : f32
    %add3A_14 = vector.broadcast %add3A : f32 to vector<1024x1xf32>
    %add3A_15 = arith.addf %div3A_11, %add3A_14 : vector<1024x1xf32>
    %rsqrt3A = math.rsqrt %add3A_15 : vector<1024x1xf32>
    %mul3A = vector.broadcast %rsqrt3A : vector<1024x1xf32> to vector<1024x128xf32>
    %mul3A_16 = arith.mulf %sub3A_13, %mul3A : vector<1024x128xf32>
    %get3A_17 = arith.constant 0 : index
    %get3A_18 = arith.constant 0 : index
    %get3A_19 = vector.load %arg3[%get3A_17, %get3A_18] : memref<1x128xf32, #tpu.memory_space<vmem>>, vector<1x128xf32>
    %mul3A_20 = vector.broadcast %get3A_19 : vector<1x128xf32> to vector<1024x128xf32>
    %mul3A_21 = arith.mulf %mul3A_16, %mul3A_20 : vector<1024x128xf32>
    %get3A_22 = arith.constant 0 : index
    %get3A_23 = arith.constant 0 : index
    %get3A_24 = vector.load %arg4[%get3A_22, %get3A_23] : memref<1x128xf32, #tpu.memory_space<vmem>>, vector<1x128xf32>
    %add3A_25 = vector.broadcast %get3A_24 : vector<1x128xf32> to vector<1024x128xf32>
    %add3A_26 = arith.addf %mul3A_21, %add3A_25 : vector<1024x128xf32>
    %swap3A = arith.constant 0 : index
    %swap3A_27 = arith.constant 0 : index
    %swap3A_28 = vector.load %arg7[%swap3A, %swap3A_27] : memref<1024x128xf32, #tpu.memory_space<vmem>>, vector<1024x128xf32>
    tpu.vector_store %arg7[%swap3A, %swap3A_27], %add3A_26 {strides = array<i32>} : memref<1024x128xf32, #tpu.memory_space<vmem>>, vector<1024x128xf32>,
    %get3A_29 = arith.constant 0 : index
    %get3A_30 = arith.constant 0 : index
    %get3A_31 = arith.constant 0 : index
    %get3A_32 = vector.load %arg2[%get3A_29, %get3A_30, %get3A_31] : memref<1x1x1024xi32, #tpu.memory_space<vmem>>, vector<1x1x1024xi32>
    %reshape3A = vector.shape_cast %get3A_32 : vector<1x1x1024xi32> to vector<1x1024xi32>
    %iota3A = tpu.iota {dimensions = array<i32: 0>} : vector<16x1024xi32>
    %eq3A = vector.broadcast %reshape3A : vector<1x1024xi32> to vector<16x1024xi32>
    %eq3A_33 = arith.cmpi eq, %iota3A, %eq3A : vector<16x1024xi32>
    %convert_element_type3A = arith.extui %eq3A_33 : vector<16x1024xi1> to vector<16x1024xi32>
    %convert_element_type3A_34 = arith.sitofp %convert_element_type3A : vector<16x1024xi32> to vector<16x1024xf32>
    %dot_general3A = arith.constant dense<0.000000e+00> : vector<16x128xf32>
    %dot_general3A_35 = tpu.matmul %convert_element_type3A_34, %add3A_26, %dot_general3A {dimension_numbers = #tpu.dot_dimension_numbers<[1], [0], [0], [1], [0, 0, 1, 1], [], []>, transpose_lhs_hint = false} : vector<16x1024xf32>, vector<1024x128xf32>, vector<16x128xf32> -> vector<16x128xf32>
    %reduce_sum3A_36 = arith.constant dense<0.000000e+00> : vector<16xf32>
    %reduce_sum3A_37 = vector.multi_reduction <add>, %convert_element_type3A_34, %reduce_sum3A_36 [1] : vector<16x1024xf32> to vector<16xf32>
    %broadcast_in_dim3A_38 = vector.shape_cast %reduce_sum3A_37 : vector<16xf32> to vector<16x1xf32>
    %broadcast_in_dim3A_39 = vector.shape_cast %broadcast_in_dim3A_38 : vector<16x1xf32> to vector<16x1xf32>
    %broadcast_in_dim3A_40 = vector.broadcast %broadcast_in_dim3A_39 : vector<16x1xf32> to vector<16x128xf32>
    %eq3A_41 = arith.constant 0 : i32
    %eq3A_42 = arith.cmpi eq, %arg0, %eq3A_41 : i32
    %convert_element_type3A_43 = arith.extui %eq3A_42 : i1 to i32
    %cond3A = arith.constant 0 : i32
    %cond3A_44 = arith.cmpi ne, %convert_element_type3A_43, %cond3A : i32
    scf.if %cond3A_44 {
      %swap3A_54 = arith.constant 0 : index
      %swap3A_55 = arith.constant 0 : index
      %swap3A_56 = vector.load %arg9[%swap3A_54, %swap3A_55] : memref<16x128xf32, #tpu.memory_space<vmem>>, vector<16x128xf32>
      tpu.vector_store %arg9[%swap3A_54, %swap3A_55], %dot_general3A_35 {strides = array<i32>} : memref<16x128xf32, #tpu.memory_space<vmem>>, vector<16x128xf32>,
      %swap3A_57 = arith.constant 0 : index
      %swap3A_58 = arith.constant 0 : index
      %swap3A_59 = vector.load %arg10[%swap3A_57, %swap3A_58] : memref<16x128xf32, #tpu.memory_space<vmem>>, vector<16x128xf32>
      tpu.vector_store %arg10[%swap3A_57, %swap3A_58], %broadcast_in_dim3A_40 {strides = array<i32>} : memref<16x128xf32, #tpu.memory_space<vmem>>, vector<16x128xf32>,
    } else {
    }
    %gt3A = arith.constant 0 : i32
    %gt3A_45 = arith.cmpi sgt, %arg0, %gt3A : i32
    %convert_element_type3A_46 = arith.extui %gt3A_45 : i1 to i32
    %cond3A_47 = arith.constant 0 : i32
    %cond3A_48 = arith.cmpi ne, %convert_element_type3A_46, %cond3A_47 : i32
    scf.if %cond3A_48 {
      %get3A_54 = arith.constant 0 : index
      %get3A_55 = arith.constant 0 : index
      %get3A_56 = vector.load %arg9[%get3A_54, %get3A_55] : memref<16x128xf32, #tpu.memory_space<vmem>>, vector<16x128xf32>
      %add3A_57 = arith.addf %get3A_56, %dot_general3A_35 : vector<16x128xf32>
      %swap3A_58 = arith.constant 0 : index
      %swap3A_59 = arith.constant 0 : index
      %swap3A_60 = vector.load %arg9[%swap3A_58, %swap3A_59] : memref<16x128xf32, #tpu.memory_space<vmem>>, vector<16x128xf32>
      tpu.vector_store %arg9[%swap3A_58, %swap3A_59], %add3A_57 {strides = array<i32>} : memref<16x128xf32, #tpu.memory_space<vmem>>, vector<16x128xf32>,
      %get3A_61 = arith.constant 0 : index
      %get3A_62 = arith.constant 0 : index
      %get3A_63 = vector.load %arg10[%get3A_61, %get3A_62] : memref<16x128xf32, #tpu.memory_space<vmem>>, vector<16x128xf32>
      %add3A_64 = arith.addf %get3A_63, %broadcast_in_dim3A_40 : vector<16x128xf32>
      %swap3A_65 = arith.constant 0 : index
      %swap3A_66 = arith.constant 0 : index
      %swap3A_67 = vector.load %arg10[%swap3A_65, %swap3A_66] : memref<16x128xf32, #tpu.memory_space<vmem>>, vector<16x128xf32>
      tpu.vector_store %arg10[%swap3A_65, %swap3A_66], %add3A_64 {strides = array<i32>} : memref<16x128xf32, #tpu.memory_space<vmem>>, vector<16x128xf32>,
    } else {
    }
    %eq3A_49 = arith.constant 9 : i32
    %eq3A_50 = arith.cmpi eq, %arg0, %eq3A_49 : i32
    %convert_element_type3A_51 = arith.extui %eq3A_50 : i1 to i32
    %cond3A_52 = arith.constant 0 : i32
    %cond3A_53 = arith.cmpi ne, %convert_element_type3A_51, %cond3A_52 : i32
    scf.if %cond3A_53 {
      %get3A_54 = arith.constant 0 : index
      %get3A_55 = arith.constant 0 : index
      %get3A_56 = vector.load %arg9[%get3A_54, %get3A_55] : memref<16x128xf32, #tpu.memory_space<vmem>>, vector<16x128xf32>
      %get3A_57 = arith.constant 0 : index
      %get3A_58 = arith.constant 0 : index
      %get3A_59 = vector.load %arg10[%get3A_57, %get3A_58] : memref<16x128xf32, #tpu.memory_space<vmem>>, vector<16x128xf32>
      %max3A = arith.constant 1.000000e+00 : f32
      %max3A_60 = vector.broadcast %max3A : f32 to vector<16x128xf32>
      %max3A_61 = arith.maximumf %get3A_59, %max3A_60 : vector<16x128xf32>
      %div3A_62 = arith.divf %get3A_56, %max3A_61 : vector<16x128xf32>
      %get3A_63 = arith.constant 0 : index
      %get3A_64 = arith.constant 0 : index
      %get3A_65 = vector.load %arg5[%get3A_63, %get3A_64] : memref<128x128xf32, #tpu.memory_space<vmem>>, vector<128x128xf32>
      %dot_general3A_66 = arith.constant dense<0.000000e+00> : vector<16x128xf32>
      %dot_general3A_67 = tpu.matmul %div3A_62, %get3A_65, %dot_general3A_66 {dimension_numbers = #tpu.dot_dimension_numbers<[1], [1], [0], [0], [0, 0, 1, 0], [], []>, transpose_lhs_hint = false} : vector<16x128xf32>, vector<128x128xf32>, vector<16x128xf32> -> vector<16x128xf32>
      %get3A_68 = arith.constant 0 : index
      %get3A_69 = arith.constant 0 : index
      %get3A_70 = vector.load %arg6[%get3A_68, %get3A_69] : memref<1x128xf32, #tpu.memory_space<vmem>>, vector<1x128xf32>
      %add3A_71 = vector.broadcast %get3A_70 : vector<1x128xf32> to vector<16x128xf32>
      %add3A_72 = arith.addf %dot_general3A_67, %add3A_71 : vector<16x128xf32>
      %swap3A_73 = arith.constant 0 : index
      %swap3A_74 = arith.constant 0 : index
      %swap3A_75 = vector.load %arg8[%swap3A_73, %swap3A_74] : memref<16x128xf32, #tpu.memory_space<vmem>>, vector<16x128xf32>
      tpu.vector_store %arg8[%swap3A_73, %swap3A_74], %add3A_72 {strides = array<i32>} : memref<16x128xf32, #tpu.memory_space<vmem>>, vector<16x128xf32>,
    } else {
    }
    return
  }
  func.func @transform_0(%arg0: i32) -> (i32, i32) {
    %c0_i32 = arith.constant 0 : i32
    %c0_i32_0 = arith.constant 0 : i32
    return %arg0, %c0_i32 : i32, i32
  }
  func.func @transform_1(%arg0: i32) -> (i32, i32, i32) {
    %c0_i32 = arith.constant 0 : i32
    %c0_i32_0 = arith.constant 0 : i32
    %c0_i32_1 = arith.constant 0 : i32
    return %arg0, %c0_i32, %c0_i32_0 : i32, i32, i32
  }
  func.func @transform_2(%arg0: i32) -> (i32, i32) {
    %c0_i32 = arith.constant 0 : i32
    %c0_i32_0 = arith.constant 0 : i32
    %c0_i32_1 = arith.constant 0 : i32
    return %c0_i32, %c0_i32_0 : i32, i32
  }
  func.func @transform_3(%arg0: i32) -> (i32, i32) {
    %c0_i32 = arith.constant 0 : i32
    %c0_i32_0 = arith.constant 0 : i32
    %c0_i32_1 = arith.constant 0 : i32
    return %c0_i32, %c0_i32_0 : i32, i32
  }
  func.func @transform_4(%arg0: i32) -> (i32, i32) {
    %c0_i32 = arith.constant 0 : i32
    %c0_i32_0 = arith.constant 0 : i32
    %c0_i32_1 = arith.constant 0 : i32
    return %c0_i32, %c0_i32_0 : i32, i32
  }
  func.func @transform_5(%arg0: i32) -> (i32, i32) {
    %c0_i32 = arith.constant 0 : i32
    %c0_i32_0 = arith.constant 0 : i32
    %c0_i32_1 = arith.constant 0 : i32
    return %c0_i32, %c0_i32_0 : i32, i32
  }
  func.func @transform_6(%arg0: i32) -> (i32, i32) {
    %c0_i32 = arith.constant 0 : i32
    %c0_i32_0 = arith.constant 0 : i32
    return %arg0, %c0_i32 : i32, i32
  }
  func.func @transform_7(%arg0: i32) -> (i32, i32) {
    %c0_i32 = arith.constant 0 : i32
    %c0_i32_0 = arith.constant 0 : i32
    %c0_i32_1 = arith.constant 0 : i32
    return %c0_i32, %c0_i32_0 : i32, i32
  }
}

module attributes {stable_mosaic.version = 14 : i64} {
  func.func @_tok_body(%arg0: memref<512x128xf32, #tpu.memory_space<vmem>>, %arg1: memref<128x128xf32, #tpu.memory_space<vmem>>, %arg2: memref<1x128xf32, #tpu.memory_space<vmem>>, %arg3: memref<512x128xf32, #tpu.memory_space<vmem>>, %arg4: memref<512x128xf32, #tpu.memory_space<vmem>>) attributes {dimension_semantics = [], scalar_prefetch = 0 : i64, scratch_operands = 0 : i64, tpu.core_type = #tpu.core_type<tc>} {
    %get3A = arith.constant 0 : index
    %get3A_0 = arith.constant 0 : index
    %get3A_1 = vector.load %arg0[%get3A, %get3A_0] : memref<512x128xf32, #tpu.memory_space<vmem>>, vector<512x128xf32>
    %get3A_2 = arith.constant 0 : index
    %get3A_3 = arith.constant 0 : index
    %get3A_4 = vector.load %arg1[%get3A_2, %get3A_3] : memref<128x128xf32, #tpu.memory_space<vmem>>, vector<128x128xf32>
    %dot_general3A = arith.constant dense<0.000000e+00> : vector<512x128xf32>
    %dot_general3A_5 = tpu.matmul %get3A_1, %get3A_4, %dot_general3A {dimension_numbers = #tpu.dot_dimension_numbers<[1], [1], [0], [0], [0, 0, 1, 0], [], []>, transpose_lhs_hint = false} : vector<512x128xf32>, vector<128x128xf32>, vector<512x128xf32> -> vector<512x128xf32>
    %get3A_6 = arith.constant 0 : index
    %get3A_7 = arith.constant 0 : index
    %get3A_8 = vector.load %arg2[%get3A_6, %get3A_7] : memref<1x128xf32, #tpu.memory_space<vmem>>, vector<1x128xf32>
    %add3A = vector.broadcast %get3A_8 : vector<1x128xf32> to vector<512x128xf32>
    %add3A_9 = arith.addf %dot_general3A_5, %add3A : vector<512x128xf32>
    %get3A_10 = arith.constant 0 : index
    %get3A_11 = arith.constant 0 : index
    %get3A_12 = vector.load %arg3[%get3A_10, %get3A_11] : memref<512x128xf32, #tpu.memory_space<vmem>>, vector<512x128xf32>
    %mul3A = arith.mulf %add3A_9, %get3A_12 : vector<512x128xf32>
    %swap3A = arith.constant 0 : index
    %swap3A_13 = arith.constant 0 : index
    %swap3A_14 = vector.load %arg4[%swap3A, %swap3A_13] : memref<512x128xf32, #tpu.memory_space<vmem>>, vector<512x128xf32>
    tpu.vector_store %arg4[%swap3A, %swap3A_13], %mul3A {strides = array<i32>} : memref<512x128xf32, #tpu.memory_space<vmem>>, vector<512x128xf32>,
    return
  }
}

</mosaic_0001>

<sc_bundles>
// kernel: kernel.13.cloned.1.call-start
scs
__scs_entry_jumppad:
0x0: {  	(pc) =	sbr.rel $0x88, $3  }
0x1: {  	(tag) =	ssettag $0x0;
	lr =	simm.s32 $0x1  }
0x2: {  	[smem:$0x3F91] =	sst lr;
	_ =	strace $0xD0000000  }
0x3: {  	_ = 	snop  }
0x4: {  	_ = 	snop  }
0x5: {  	_ = 	snop  }
0x6: {  	_ = 	snop  }
0x7: {  	_ = 	snop  }
__scs_overlays_trampoline_lowered:
0x8: {  	[smem:$0x3FA0] =	sst s0  }
0x9: {  	[smem:$0x3FA1] =	sst s1  }
0xa: {  	[smem:$0x3FA2] =	sst s2  }
0xb: {  	[smem:$0x3FA3] =	sst s3  }
0xc: {  	[smem:$0x3FA4] =	sst s4  }
0xd: {  	[smem:$0x3FA5] =	sst s5  }
0xe: {  	[smem:$0x3FA6] =	sst s6  }
0xf: {  	[smem:$0x3FA7] =	sst s7  }
0x10: {  	[smem:$0x3FA8] =	sst s8  }
0x11: {  	[smem:$0x3FA9] =	sst s9;
	s0 =	simm.s32 @!p0 $0x0  }
0x12: {  	s1 =	sld [smem:$0x3F8F];
	s0 =	simm.s32 @p0 $0x1  }
0x13: {  	[smem:$0x3FAA] =	sst s0;
	s0 =	simm.s32 @!p1 $0x0  }
0x14: {  	s2 =	sld [smem:$0x3F8E];
	s0 =	simm.s32 @p1 $0x1  }
0x15: {  	[smem:$0x3FAB] =	sst s0;
	s0 =	simm.s32 @!p2 $0x0  }
0x16: {  	s3 =	sld [smem:$0x3FDB];
	s0 =	simm.s32 @p2 $0x1  }
0x17: {  	s4 =	simm.s32 $0x1BF5;
	[smem:$0x3FAD] =	sst s0  }
0x18: {  	s0 =	sld [smem:$0x3F90];
	_ =	swait.ge [sflag:s4], $0x0  }
0x19: {  	s7 =	sld [smem:$0x3F91]  }
0x1a: {  	s8 =	sadd.s32 $0xFFFFE003, lr  }
0x1b: {  	s9 =	sadd.s32 $0xFFFFFEF7, lr;
	s5 =	simm.s32 $0xFFFFFFFF;
	p2 =	slt.u32 s8, $0xFFFFF086  }
0x1c: {  	p1 =	slt.u32 s9, $0xF7A;
	s5 =	simm.s32 @!p2 $0x0  }
0x1d: {  	s5 =	simm.s32 @p1 $0x1;
	p0 =	seq.s32 s7, s2  }
0x1e: {  	s7 =	smul.u32 @!p0 $0xF7A, s2;
	p2 =	seq.s32 @!p0 s5, $0x0  }
0x1f: {  	s9 =	smul.u32 $0xF7A, s1;
	s8 =	simm.s32 @!p0 $0x1BF5;
	p2 =	por !p2, p0  }
0x20: {  	[sflag:s8] =	ssyncset.s32 @!p0 $0xFFFFF086;
	s6 =	sadd.s32 @!p0 s3, s7;
	s7 =	simm.s32 @!p0 $0x108  }
0x21: {  	s3 =	sadd.s32 s3, s9;
	s6 =	sadd.s32 @!p0 $0x88, s6;
	s7 =	simm.s32 @p2 $0x1082  }
0x22: {  	[simem:s7], [sflag:s8] =	dma.local @!p0 [hbm:s6], $0xF7A  }
0x23: {  	s9 =	sor.u32 $0xD0000000, s2;
	s6 =	simm.s32 $0x108;
	_ =	swait.ge @!p0 [sflag:s8], $0x0  }
0x24: {  	s3 =	sadd.s32 $0x88, s3;
	s6 =	simm.s32 @!p1 $0x1082;
	[sflag:s4] =	ssyncset.s32 $0xFFFFF086  }
0x25: {  	[simem:s6], [sflag:s4] =	dma.local [hbm:s3], $0xF7A  }
0x26: {  	[smem:$0x3F91] =	sst s1;
	(tag) =	ssettag s2;
	_ =	strace s9  }
0x27: {  	s1 =	sld [smem:$0x3FA1]  }
0x28: {  	s2 =	sld [smem:$0x3FA2]  }
0x29: {  	s4 =	sld [smem:$0x3FA4]  }
0x2a: {  	p0 =	seq.s32 s5, $0x0;
	s5 =	sld [smem:$0x3FA5]  }
0x2b: {  	s6 =	sld [smem:$0x3FA6]  }
0x2c: {  	s7 =	sld [smem:$0x3FA7]  }
0x2d: {  	s3 =	simm.s32 $0x108;
	s8 =	sld [smem:$0x3FA8]  }
0x2e: {  	s3 =	simm.s32 @!p0 $0x1082;
	s9 =	sld [smem:$0x3FA9]  }
0x2f: {  	lr =	sadd.s32 s0, s3;
	s0 =	sld [smem:$0x3FA0]  }
0x30: {  	s3 =	sld [smem:$0x3FA3]  }
0x31: {  	[smem:$0x3FAC] =	sst s10  }
0x32: {  	s10 =	sld [smem:$0x3FAA];
	_ =	sdelay $0x3  }
0x33: {  	p0 =	seq.s32 s10, $0x1;
	s10 =	sld [smem:$0x3FAC];
	_ =	sdelay $0x3  }
0x34: {  	[smem:$0x3FAC] =	sst s10  }
0x35: {  	s10 =	sld [smem:$0x3FAB];
	_ =	sdelay $0x3  }
0x36: {  	p1 =	seq.s32 s10, $0x1;
	s10 =	sld [smem:$0x3FAC];
	_ =	sdelay $0x3  }
0x37: {  	[smem:$0x3FAC] =	sst s10  }
0x38: {  	s10 =	sld [smem:$0x3FAD]  }
0x39: {  	_ = 	snop;
	(pc) =	sbr.ind lr, $3  }
0x3a: {  	_ = 	snop  }
0x3b: {  	_ = 	snop  }
0x3c: {  	p2 =	seq.s32 s10, $0x1;
	s10 =	sld [smem:$0x3FAC]  }
0x3d: {  	_ =	shalt  }
0x3e: {  	_ =	shalt  }
0x3f: {  	_ =	shalt  }
0x40: {  	_ =	shalt  }
0x41: {  	_ =	shalt  }
0x42: {  	_ =	shalt  }
0x43: {  	_ =	shalt  }
0x44: {  	_ =	shalt  }
0x45: {  	_ =	shalt  }
0x46: {  	_ =	shalt  }
0x47: {  	_ =	shalt  }
0x48: {  	_ =	shalt  }
0x49: {  	_ =	shalt  }
0x4a: {  	_ =	shalt  }
0x4b: {  	_ =	shalt  }
0x4c: {  	_ =	shalt  }
0x4d: {  	_ =	shalt  }
0x4e: {  	_ =	shalt  }
0x4f: {  	_ =	shalt  }
0x50: {  	_ =	shalt  }
0x51: {  	_ =	shalt  }
0x52: {  	_ =	shalt  }
0x53: {  	_ =	shalt  }
0x54: {  	_ =	shalt  }
0x55: {  	_ =	shalt  }
0x56: {  	_ =	shalt  }
0x57: {  	_ =	shalt  }
0x58: {  	_ =	shalt  }
0x59: {  	_ =	shalt  }
0x5a: {  	_ =	shalt  }
0x5b: {  	_ =	shalt  }
0x5c: {  	_ =	shalt  }
0x5d: {  	_ =	shalt  }
0x5e: {  	_ =	shalt  }
0x5f: {  	_ =	shalt  }
0x60: {  	_ =	shalt  }
0x61: {  	_ =	shalt  }
0x62: {  	_ =	shalt  }
0x63: {  	_ =	shalt  }
0x64: {  	_ =	shalt  }
0x65: {  	_ =	shalt  }
0x66: {  	_ =	shalt  }
0x67: {  	_ =	shalt  }
0x68: {  	_ =	shalt  }
0x69: {  	_ =	shalt  }
0x6a: {  	_ =	shalt  }
0x6b: {  	_ =	shalt  }
0x6c: {  	_ =	shalt  }
0x6d: {  	_ =	shalt  }
0x6e: {  	_ =	shalt  }
0x6f: {  	_ =	shalt  }
0x70: {  	_ =	shalt  }
0x71: {  	_ =	shalt  }
0x72: {  	_ =	shalt  }
0x73: {  	_ =	shalt  }
0x74: {  	_ =	shalt  }
0x75: {  	_ =	shalt  }
0x76: {  	_ =	shalt  }
0x77: {  	_ =	shalt  }
0x78: {  	_ =	shalt  }
0x79: {  	_ =	shalt  }
0x7a: {  	_ =	shalt  }
0x7b: {  	_ =	shalt  }
0x7c: {  	_ =	shalt  }
0x7d: {  	_ =	shalt  }
0x7e: {  	_ =	shalt  }
0x7f: {  	_ =	shalt  }
0x80: {  	_ =	shalt  }
0x81: {  	_ =	shalt  }
0x82: {  	_ =	shalt  }
0x83: {  	_ =	shalt  }
0x84: {  	_ =	shalt  }
0x85: {  	_ =	shalt  }
0x86: {  	_ =	shalt  }
0x87: {  	_ =	shalt  }
.Lfunc_end0:
.L_simem_size_0:
called_computation_lowered:
.L_overlay_start_0:
0x88: {  	s2 =	sld [smem:$0x3FD9]  }
0x89: {  	s3 =	sld [smem:$0x3FFE];
	_ =	sdelay $0x1  }
0x8a: {  	s1 =	srdreg.scid  }
0x8b: {  	s0 =	sand.u32 $0x1, s1  }
0x8c: {  	s16 =	sshll.u32 s0, $0xA;
	s2 =	sadd.s32 s3, s2  }
0x8d: {  	s2 =	sadd.s32 s2, s16  }
0x8e: {  	[smem:$0x3FB8] =	sst s2  }
0x8f: {  	_ = 	snop  }
0x90: {  	(tm) =	ssettm $0x1  }
0x91: {  	s17 =	sld [smem:$0x3FFB];
	_ =	sdelay $0x3  }
0x92: {  	_ =	strace s17  }
0x93: {  	s2 =	sld [smem:$0x3FFC];
	_ =	sdelay $0x3  }
0x94: {  	_ =	strace s2  }
0x95: {  	s2 =	sld [smem:$0x3FFD];
	_ =	sdelay $0x3  }
0x96: {  	_ =	strace s2  }
0x97: {  	_ =	strace $0x8FFFFFFF  }
0x98: {  	s18 =	sld [smem:$0x3FDB];
	_ =	sdelay $0x1  }
0x99: {  	s19 =	simm.s32 $_scs_section_size  }
0x9a: {  	s4 =	simm.s32 $_size__tile_overlayer_lowered;
	s5 =	simm.s32 $_tile_overlayer_lowered  }
0x9b: {  	s22 =	simm.s32 $0x1BFF;
	s21 =	sshll.u32 s5, $0x1;
	s2 =	sadd.s32 s19, s18  }
0x9c: {  	s6 =	simm.s32 $0x0;
	s20 =	sshll.u32 s4, $0x1;
	s4 =	sadd.s32 s21, s2  }
0x9d: {  	[timem:s6], [sflag:s22] =	dma.local [hbm:s4], s20  }
0x9e: {  	_ =	swait.ge [sflag:s22], s20  }
0x9f: {  	s3 =	ssub.s32 $0x0, s20;
	[sflag:s22] =	ssyncset.done $0x0  }
0xa0: {  	[sflag:s22] =	ssyncadd.s32 s3;
	_ =	sdelay $0x1  }
0xa1: {  	s23 =	simm.s32 $0x1B8B  }
0xa2: {  	_ =	swait.ge [sflag:s23], $0x1  }
0xa3: {  	[sflag:s23] =	ssyncset.done $0x0  }
0xa4: {  	s25 =	simm.s32 $0x1B8E;
	s24 =	sld [smem:$0x3FFE];
	[sflag:s23] =	ssyncadd.s32 $0xFFFFFFFF  }
0xa5: {  	s26 =	simm.s32 $execute0_lowered;
	[smem:$0x3FD2] =	sst s25  }
0xa6: {  	s4 =	sshll.u32 s26, $0x1;
	_ =	strace $0x80000046;
	[dreg:$0x1] =	wrdreg $0xFFFFFFFF  }
0xa7: {  	s28 =	simm.s32 $_size_execute0_lowered;
	s2 =	sadd.s32 s2, s4;
	[dreg:$0x0] =	wrdreg $0x0  }
0xa8: {  	s4 =	sshll.u32 s28, $0x1;
	[dreg:$0x2] =	wrdreg s2  }
0xa9: {  	[dreg:$0x3] =	wrdreg s4  }
0xaa: {  	[dreg:$0x4] =	wrdreg $0xC0  }
0xab: {  	_ =	task [dreg:s6], $0x5FFFF  }
0xac: {  	[dreg:$0x1] =	wrdreg $0xFFFFFFFF  }
0xad: {  	[dreg:$0x0] =	wrdreg $0x60  }
0xae: {  	[dreg:$0x2] =	wrdreg s24  }
0xaf: {  	[dreg:$0x3] =	wrdreg $0x41000  }
0xb0: {  	[dreg:$0x4] =	wrdreg $0x9  }
0xb1: {  	_ =	task.clear_ibuf [dreg:s6], $0x5FFFF;
	_ =	strace $0x90000046  }
0xb2: {  	s29 =	simm.s32 $0x9;
	_ =	strace $0x80000048  }
0xb3: {  	_ =	swait.ge [sflag:s29], $0x1  }
0xb4: {  	[sflag:s29] =	ssyncadd.s32 $0xFFFFFFFF  }
0xb5: {  	_ =	strace $0x90000048  }
0xb6: {  	_ =	sfence  }
0xb7: {  	s30 =	sld [smem:$0x0];
	_ =	sdelay $0x2  }
0xb8: {  	s31 =	sshll.u32 s1, $0xD;
	s1 =	sshrl.u32 s1, $0x2  }
0xb9: {  	s3 =	sand.u32 $0x4000, s31;
	s1 =	sadd.s32 s1, s30  }
0xba: {  	s0 =	sor.u32 s3, s0;
	s1 =	sshll.u32 s1, $0x11  }
0xbb: {  	s0 =	sor.u32 s1, s0  }
0xbc: {  	s0 =	sadd.s32 $0x8F2B, s0  }
0xbd: {  	[sflag:s0] =	ssyncadd.remote.s32 $0x1  }
0xbe: {  	_ =	sfence.sel $0xFFFF  }
0xbf: {  	[dreg:$0x0] =	wrdreg $0xFFFFFFFF;
	(pc) =	sbr.abs _section_cstart, $3  }
0xc0: {  	[dreg:$0x1] =	wrdreg $0xFFFFFFFF  }
0xc1: {  	_ =	task.clear_ibuf [dreg:s6], $0x2FFFF;
	_ =	strace $0x9FFFFFFF  }
0xc2: {  	(tm) =	ssettm $0x7FFFFFFF  }
0xc3: {  	_ =	shalt  }
tec
execute0_lowered:
.L_overlay_start_1:
0x0: {  	(tag) =	ssettag $0x1  }
0x1: {  	s5 =	rddreg [dreg:$0x0]  }
0x2: {  	s2 =	rddreg [dreg:$0x1]  }
0x3: {  	s0 =	rddreg [dreg:$0x2];
	s1 =	stileid.u32  }
0x4: {  	s4 =	srdreg.scid;
	s3 =	simm.s32 $0x0;
	s12 =	simm.s32 $0x2  }
0x5: {  	s13 =	simm.s32 $0x80;
	s14 =	simm.s32 $0x100;
	s6 =	smul.u32 $0x1400, s1  }
0x6: {  	s15 =	simm.s32 $0x1;
	s16 =	simm.s32 $0x0;
	s7 =	smul.u32 $0x14000, s1  }
0x7: {  	s8 =	sand.u32 $0x1, s4;
	[smem:$0x7FF] =	sst s3;
	s11 =	smul.u32 $0x50000, s1  }
0x8: {  	s4 =	sadd.s32 $0x41A00, s5;
	s31 =	sshll.u32 s1, $0x6;
	s9 =	smul.u32 $0x140000, s8  }
0x9: {  	_ =	strace $0x80000047;
	s28 =	ssub.s32 $0x2, s8;
	s8 =	smul.u32 $0xA00, s8  }
0xa: {  	s10 =	sadd.s32 s6, s5;
	s26 =	sshrl.u32 s7, $0x3;
	s29 =	sshrl.u32 s28, $0x1  }
0xb: {  	s30 =	sshrl.u32 s11, $0x2;
	s7 =	sadd.s32 s7, s9;
	s6 =	sadd.s32 s26, s5  }
0xc: {  	s9 =	ssub.s32 s28, s29;
	s11 =	sadd.s32 s30, s2;
	s10 =	sadd.s32 s8, s10  }
0xd: {  	s7 =	sshrl.u32 s7, $0x3;
	s8 =	smax.u32 s9, $0x1;
	s9 =	sadd.s32 $0x19A00, s10  }
0xe: {  	s10 =	sadd.s32 $0x5A00, s10;
	s11 =	sshrl.u32 s11, $0x3;
	s7 =	sadd.s32 s7, s5  }
0xf: {  	s5 =	sadd.s32 $0x91A00, s6;
	s6 =	sor.u32 $0x1C02, s31;
	s7 =	sadd.s32 $0xB9A00, s7  }
.LBB2_1:
0x10: {  	[spmem:s11], [sflag:s6] =	dma.local [hbm:s5], $0x2800  }
0x11: {  	_ =	swait.ge [sflag:s12], $0x2800  }
0x12: {  	[sflag:s12] =	ssyncset.done $0x0  }
0x13: {  	[sflag:s12] =	ssyncadd.s32 $0xFFFFD800  }
0x14: {  	s17 =	sadd.s32 $0x0, s10;
	[bflag:$0x0] =	sbarrier.arrive $0xFFFF  }
0x15: {  	[tilespmem:s3], [sflag:$0x2] =	stream.linear.gather [hbm4b:s17+s3], $0x80, $0x38;
	[tilespmem:$0x18100] =	vst v63  }
0x16: {  	_ =	swait.ge [sflag:s12], $0x80  }
0x17: {  	[sflag:s12] =	ssyncset.done $0x0  }
0x18: {  	s31 =	sadd.s32 $0x0, s9;
	[sflag:s12] =	ssyncadd.s32 $0xFFFFFF80  }
0x19: {  	[tilespmem:s13], [sflag:$0x2] =	stream.linear.gather [hbm4b:s31+s3], $0x80, $0x38;
	[tilespmem:$0x18100] =	vst v63  }
0x1a: {  	_ =	swait.ge [sflag:s12], $0x80  }
0x1b: {  	[sflag:s12] =	ssyncset.done $0x0  }
0x1c: {  	[sflag:s12] =	ssyncadd.s32 $0xFFFFFF80  }
0x1d: {  	[tilespmem:s14], [sflag:$0x1] =	stream.indirect.gather [hbm4b:s4+s13], $0x80, s3, s13, $0xb8;
	[tilespmem:$0x18100] =	vst v63  }
0x1e: {  	_ =	swait.ge [sflag:s15], $0x4000  }
0x1f: {  	[sflag:s15] =	ssyncset.done $0x0  }
0x20: {  	[sflag:s15] =	ssyncadd.s32 $0xFFFFC000  }
0x21: {  	[spmem:s2] =	stream.indirect.scatter.add.f32 [tilespmem:s14], [sflag:$0x2], $0x80, s13, s13, $0xb8;
	[tilespmem:$0x18100] =	vst v63  }
0x22: {  	_ =	swait.ge [sflag:s12], $0x4000  }
0x23: {  	s18 =	simm.s32 $0x20;
	s17 =	simm.s32 $0x10;
	[sflag:s12] =	ssyncset.done $0x0  }
.LBB2_2:
0x24: {  	s19 =	sadd.s32 s17, s10  }
0x25: {  	[sflag:s12] =	ssyncadd.s32 $0xFFFFC000;
	s20 =	smov.u32 s18;
	s21 =	sadd.s32 $0x10, s18  }
0x26: {  	[tilespmem:s3], [sflag:$0x2] =	stream.linear.gather [hbm4b:s19+s3], $0x80, $0x38;
	[tilespmem:$0x18100] =	vst v63  }
0x27: {  	p0 =	sne.s32 s18, $0x9F0;
	_ =	swait.ge [sflag:s12], $0x80  }
0x28: {  	[sflag:s12] =	ssyncset.done $0x0  }
0x29: {  	s18 =	sadd.s32 s17, s9;
	s17 =	smov.u32 s20;
	[sflag:s12] =	ssyncadd.s32 $0xFFFFFF80  }
0x2a: {  	[tilespmem:s13], [sflag:$0x2] =	stream.linear.gather [hbm4b:s18+s3], $0x80, $0x38;
	[tilespmem:$0x18100] =	vst v63  }
0x2b: {  	_ =	swait.ge [sflag:s12], $0x80  }
0x2c: {  	[sflag:s12] =	ssyncset.done $0x0  }
0x2d: {  	[sflag:s12] =	ssyncadd.s32 $0xFFFFFF80  }
0x2e: {  	[tilespmem:s14], [sflag:$0x1] =	stream.indirect.gather [hbm4b:s4+s13], $0x80, s3, s13, $0xb8;
	[tilespmem:$0x18100] =	vst v63  }
0x2f: {  	_ =	swait.ge [sflag:s15], $0x4000  }
.Ltmp0:
0x30: {  	[sflag:s15] =	ssyncset.done $0x0;
	(pc) =	sbr.rel @p0 .LBB2_2-.Ltmp0, $4  }
0x31: {  	[sflag:s15] =	ssyncadd.s32 $0xFFFFC000  }
0x32: {  	[spmem:s2] =	stream.indirect.scatter.add.f32 [tilespmem:s14], [sflag:$0x2], $0x80, s13, s13, $0xb8;
	[tilespmem:$0x18100] =	vst v63  }
0x33: {  	_ =	swait.ge [sflag:s12], $0x4000  }
0x34: {  	s18 =	smov.u32 s21;
	[sflag:s12] =	ssyncset.done $0x0  }
0x35: {  	s18 =	sadd.s32 s17, s10;
	[sflag:s12] =	ssyncadd.s32 $0xFFFFC000  }
0x36: {  	[tilespmem:s3], [sflag:$0x2] =	stream.linear.gather [hbm4b:s18+s3], $0x80, $0x38;
	[tilespmem:$0x18100] =	vst v63  }
0x37: {  	_ =	swait.ge [sflag:s12], $0x80  }
0x38: {  	[sflag:s12] =	ssyncset.done $0x0  }
0x39: {  	s31 =	sadd.s32 s17, s9;
	[sflag:s12] =	ssyncadd.s32 $0xFFFFFF80  }
0x3a: {  	[tilespmem:s13], [sflag:$0x2] =	stream.linear.gather [hbm4b:s31+s3], $0x80, $0x38;
	[tilespmem:$0x18100] =	vst v63  }
0x3b: {  	_ =	swait.ge [sflag:s12], $0x80  }
0x3c: {  	[sflag:s12] =	ssyncset.done $0x0  }
0x3d: {  	[sflag:s12] =	ssyncadd.s32 $0xFFFFFF80  }
0x3e: {  	[tilespmem:s14], [sflag:$0x1] =	stream.indirect.gather [hbm4b:s4+s13], $0x80, s3, s13, $0xb8;
	[tilespmem:$0x18100] =	vst v63  }
0x3f: {  	_ =	swait.ge [sflag:s15], $0x4000  }
0x40: {  	[sflag:s15] =	ssyncset.done $0x0  }
0x41: {  	[sflag:s15] =	ssyncadd.s32 $0xFFFFC000  }
0x42: {  	[spmem:s2] =	stream.indirect.scatter.add.f32 [tilespmem:s14], [sflag:$0x2], $0x80, s13, s13, $0xb8;
	[tilespmem:$0x18100] =	vst v63  }
0x43: {  	_ =	swait.ge [sflag:s12], $0x4000  }
0x44: {  	s16 =	sadd.s32 $0x1, s16;
	[sflag:s12] =	ssyncset.done $0x0  }
0x45: {  	p0 =	sne.s32 s16, s8;
	[sflag:s12] =	ssyncadd.s32 $0xFFFFC000  }
.Ltmp1:
0x46: {  	[bflag:$0x0] =	sbarrier.arrive $0xFFFF;
	(pc) =	sbr.rel @p0 .LBB2_1-.Ltmp1, $4  }
0x47: {  	[hbm:s7], [sflag:s6] =	dma.local [spmem:s11], $0x2800  }
0x48: {  	_ =	swait.ge [sflag:s12], $0x2800  }
0x49: {  	[sflag:s12] =	ssyncset.done $0x0  }
0x4a: {  	[sflag:s12] =	ssyncadd.s32 $0xFFFFD800  }
0x4b: {  	_ =	sfence.sel $0x180000  }
0x4c: {  	[bflag:$0x0] =	sbarrier.arrive $0xFFFF  }
0x4d: {  	p0 =	sne.s32 s1, $0x0;
	_ =	strace $0x90000047  }
0x4e: {  	s0 =	sadd.s32 @!p0 $0x100000, s0;
	[bflag:$0x2] =	sbarrier.arrive $0xFFFF  }
0x4f: {  	[sflag:s0] =	ssyncadd.tile.s32 @!p0 $0x1;
	_ =	shalt  }
.Lfunc_end2:
_tile_overlayer_lowered:
.L_overlay_start_2:
0x50: {  	(tag) =	ssettag $0x2  }
0x51: {  	s0 =	rddreg [dreg:$0x0];
	s2 =	stileid.u32  }
0x52: {  	s1 =	rddreg [dreg:$0x1];
	p0 =	sne.s32 s2, $0x0  }
0x53: {  	s3 =	rddreg [dreg:$0x2];
	[bflag:$0x3] =	sbarrier.arrive $0xFFFF;
	s2 =	simm.s32 @!p0 $0x1C02  }
0x54: {  	[timem:s3], [sflag:s2] =	dma.local @!p0 [hbm:s0], s1  }
0x55: {  	s0 =	simm.s32 @!p0 $0x2  }
0x56: {  	_ =	swait.ge @!p0 [sflag:s0], s1  }
0x57: {  	s1 =	ssub.s32 @!p0 $0x0, s1;
	[sflag:s0] =	ssyncset.done @!p0 $0x0  }
0x58: {  	[sflag:s0] =	ssyncadd.s32 @!p0 s1  }
0x59: {  	[bflag:$0x3] =	sbarrier.arrive $0xFFFF  }
0x5a: {  	_ =	shalt  }

// kernel: kernel.16.cloned.1.call-start
scs
__scs_entry_jumppad:
0x0: {  	(pc) =	sbr.rel $0x88, $3  }
0x1: {  	(tag) =	ssettag $0x0;
	lr =	simm.s32 $0x1  }
0x2: {  	[smem:$0x3F91] =	sst lr;
	_ =	strace $0xD0000000  }
0x3: {  	_ = 	snop  }
0x4: {  	_ = 	snop  }
0x5: {  	_ = 	snop  }
0x6: {  	_ = 	snop  }
0x7: {  	_ = 	snop  }
__scs_overlays_trampoline_lowered:
0x8: {  	[smem:$0x3FA0] =	sst s0  }
0x9: {  	[smem:$0x3FA1] =	sst s1  }
0xa: {  	[smem:$0x3FA2] =	sst s2  }
0xb: {  	[smem:$0x3FA3] =	sst s3  }
0xc: {  	[smem:$0x3FA4] =	sst s4  }
0xd: {  	[smem:$0x3FA5] =	sst s5  }
0xe: {  	[smem:$0x3FA6] =	sst s6  }
0xf: {  	[smem:$0x3FA7] =	sst s7  }
0x10: {  	[smem:$0x3FA8] =	sst s8  }
0x11: {  	[smem:$0x3FA9] =	sst s9;
	s0 =	simm.s32 @!p0 $0x0  }
0x12: {  	s1 =	sld [smem:$0x3F8F];
	s0 =	simm.s32 @p0 $0x1  }
0x13: {  	[smem:$0x3FAA] =	sst s0;
	s0 =	simm.s32 @!p1 $0x0  }
0x14: {  	s2 =	sld [smem:$0x3F8E];
	s0 =	simm.s32 @p1 $0x1  }
0x15: {  	[smem:$0x3FAB] =	sst s0;
	s0 =	simm.s32 @!p2 $0x0  }
0x16: {  	s3 =	sld [smem:$0x3FDB];
	s0 =	simm.s32 @p2 $0x1  }
0x17: {  	s4 =	simm.s32 $0x1BF5;
	[smem:$0x3FAD] =	sst s0  }
0x18: {  	s0 =	sld [smem:$0x3F90];
	_ =	swait.ge [sflag:s4], $0x0  }
0x19: {  	s7 =	sld [smem:$0x3F91]  }
0x1a: {  	s8 =	sadd.s32 $0xFFFFE003, lr  }
0x1b: {  	s9 =	sadd.s32 $0xFFFFFEF7, lr;
	s5 =	simm.s32 $0xFFFFFFFF;
	p2 =	slt.u32 s8, $0xFFFFF086  }
0x1c: {  	p1 =	slt.u32 s9, $0xF7A;
	s5 =	simm.s32 @!p2 $0x0  }
0x1d: {  	s5 =	simm.s32 @p1 $0x1;
	p0 =	seq.s32 s7, s2  }
0x1e: {  	s7 =	smul.u32 @!p0 $0xF7A, s2;
	p2 =	seq.s32 @!p0 s5, $0x0  }
0x1f: {  	s9 =	smul.u32 $0xF7A, s1;
	s8 =	simm.s32 @!p0 $0x1BF5;
	p2 =	por !p2, p0  }
0x20: {  	[sflag:s8] =	ssyncset.s32 @!p0 $0xFFFFF086;
	s6 =	sadd.s32 @!p0 s3, s7;
	s7 =	simm.s32 @!p0 $0x108  }
0x21: {  	s3 =	sadd.s32 s3, s9;
	s6 =	sadd.s32 @!p0 $0x88, s6;
	s7 =	simm.s32 @p2 $0x1082  }
0x22: {  	[simem:s7], [sflag:s8] =	dma.local @!p0 [hbm:s6], $0xF7A  }
0x23: {  	s9 =	sor.u32 $0xD0000000, s2;
	s6 =	simm.s32 $0x108;
	_ =	swait.ge @!p0 [sflag:s8], $0x0  }
0x24: {  	s3 =	sadd.s32 $0x88, s3;
	s6 =	simm.s32 @!p1 $0x1082;
	[sflag:s4] =	ssyncset.s32 $0xFFFFF086  }
0x25: {  	[simem:s6], [sflag:s4] =	dma.local [hbm:s3], $0xF7A  }
0x26: {  	[smem:$0x3F91] =	sst s1;
	(tag) =	ssettag s2;
	_ =	strace s9  }
0x27: {  	s1 =	sld [smem:$0x3FA1]  }
0x28: {  	s2 =	sld [smem:$0x3FA2]  }
0x29: {  	s4 =	sld [smem:$0x3FA4]  }
0x2a: {  	p0 =	seq.s32 s5, $0x0;
	s5 =	sld [smem:$0x3FA5]  }
0x2b: {  	s6 =	sld [smem:$0x3FA6]  }
0x2c: {  	s7 =	sld [smem:$0x3FA7]  }
0x2d: {  	s3 =	simm.s32 $0x108;
	s8 =	sld [smem:$0x3FA8]  }
0x2e: {  	s3 =	simm.s32 @!p0 $0x1082;
	s9 =	sld [smem:$0x3FA9]  }
0x2f: {  	lr =	sadd.s32 s0, s3;
	s0 =	sld [smem:$0x3FA0]  }
0x30: {  	s3 =	sld [smem:$0x3FA3]  }
0x31: {  	[smem:$0x3FAC] =	sst s10  }
0x32: {  	s10 =	sld [smem:$0x3FAA];
	_ =	sdelay $0x3  }
0x33: {  	p0 =	seq.s32 s10, $0x1;
	s10 =	sld [smem:$0x3FAC];
	_ =	sdelay $0x3  }
0x34: {  	[smem:$0x3FAC] =	sst s10  }
0x35: {  	s10 =	sld [smem:$0x3FAB];
	_ =	sdelay $0x3  }
0x36: {  	p1 =	seq.s32 s10, $0x1;
	s10 =	sld [smem:$0x3FAC];
	_ =	sdelay $0x3  }
0x37: {  	[smem:$0x3FAC] =	sst s10  }
0x38: {  	s10 =	sld [smem:$0x3FAD]  }
0x39: {  	_ = 	snop;
	(pc) =	sbr.ind lr, $3  }
0x3a: {  	_ = 	snop  }
0x3b: {  	_ = 	snop  }
0x3c: {  	p2 =	seq.s32 s10, $0x1;
	s10 =	sld [smem:$0x3FAC]  }
0x3d: {  	_ =	shalt  }
0x3e: {  	_ =	shalt  }
0x3f: {  	_ =	shalt  }
0x40: {  	_ =	shalt  }
0x41: {  	_ =	shalt  }
0x42: {  	_ =	shalt  }
0x43: {  	_ =	shalt  }
0x44: {  	_ =	shalt  }
0x45: {  	_ =	shalt  }
0x46: {  	_ =	shalt  }
0x47: {  	_ =	shalt  }
0x48: {  	_ =	shalt  }
0x49: {  	_ =	shalt  }
0x4a: {  	_ =	shalt  }
0x4b: {  	_ =	shalt  }
0x4c: {  	_ =	shalt  }
0x4d: {  	_ =	shalt  }
0x4e: {  	_ =	shalt  }
0x4f: {  	_ =	shalt  }
0x50: {  	_ =	shalt  }
0x51: {  	_ =	shalt  }
0x52: {  	_ =	shalt  }
0x53: {  	_ =	shalt  }
0x54: {  	_ =	shalt  }
0x55: {  	_ =	shalt  }
0x56: {  	_ =	shalt  }
0x57: {  	_ =	shalt  }
0x58: {  	_ =	shalt  }
0x59: {  	_ =	shalt  }
0x5a: {  	_ =	shalt  }
0x5b: {  	_ =	shalt  }
0x5c: {  	_ =	shalt  }
0x5d: {  	_ =	shalt  }
0x5e: {  	_ =	shalt  }
0x5f: {  	_ =	shalt  }
0x60: {  	_ =	shalt  }
0x61: {  	_ =	shalt  }
0x62: {  	_ =	shalt  }
0x63: {  	_ =	shalt  }
0x64: {  	_ =	shalt  }
0x65: {  	_ =	shalt  }
0x66: {  	_ =	shalt  }
0x67: {  	_ =	shalt  }
0x68: {  	_ =	shalt  }
0x69: {  	_ =	shalt  }
0x6a: {  	_ =	shalt  }
0x6b: {  	_ =	shalt  }
0x6c: {  	_ =	shalt  }
0x6d: {  	_ =	shalt  }
0x6e: {  	_ =	shalt  }
0x6f: {  	_ =	shalt  }
0x70: {  	_ =	shalt  }
0x71: {  	_ =	shalt  }
0x72: {  	_ =	shalt  }
0x73: {  	_ =	shalt  }
0x74: {  	_ =	shalt  }
0x75: {  	_ =	shalt  }
0x76: {  	_ =	shalt  }
0x77: {  	_ =	shalt  }
0x78: {  	_ =	shalt  }
0x79: {  	_ =	shalt  }
0x7a: {  	_ =	shalt  }
0x7b: {  	_ =	shalt  }
0x7c: {  	_ =	shalt  }
0x7d: {  	_ =	shalt  }
0x7e: {  	_ =	shalt  }
0x7f: {  	_ =	shalt  }
0x80: {  	_ =	shalt  }
0x81: {  	_ =	shalt  }
0x82: {  	_ =	shalt  }
0x83: {  	_ =	shalt  }
0x84: {  	_ =	shalt  }
0x85: {  	_ =	shalt  }
0x86: {  	_ =	shalt  }
0x87: {  	_ =	shalt  }
.Lfunc_end0:
.L_simem_size_0:
called_computation.1_lowered:
.L_overlay_start_0:
0x88: {  	s2 =	sld [smem:$0x3FD9]  }
0x89: {  	s3 =	sld [smem:$0x3FFE];
	_ =	sdelay $0x1  }
0x8a: {  	s1 =	srdreg.scid  }
0x8b: {  	s0 =	sand.u32 $0x1, s1  }
0x8c: {  	s17 =	sshll.u32 s0, $0xA;
	s2 =	sadd.s32 s3, s2  }
0x8d: {  	s2 =	sadd.s32 s2, s17  }
0x8e: {  	[smem:$0x3FB8] =	sst s2  }
0x8f: {  	_ = 	snop  }
0x90: {  	(tm) =	ssettm $0x1  }
0x91: {  	s18 =	sld [smem:$0x3FFB];
	_ =	sdelay $0x3  }
0x92: {  	_ =	strace s18  }
0x93: {  	s2 =	sld [smem:$0x3FFC];
	_ =	sdelay $0x3  }
0x94: {  	_ =	strace s2  }
0x95: {  	s2 =	sld [smem:$0x3FFD];
	_ =	sdelay $0x3  }
0x96: {  	_ =	strace s2  }
0x97: {  	_ =	strace $0x8FFFFFFF  }
0x98: {  	s19 =	sld [smem:$0x3FDB];
	_ =	sdelay $0x1  }
0x99: {  	s20 =	simm.s32 $_scs_section_size  }
0x9a: {  	s4 =	simm.s32 $_size__tile_overlayer_lowered;
	s5 =	simm.s32 $_tile_overlayer_lowered  }
0x9b: {  	s6 =	simm.s32 $0x1BFF;
	s21 =	sshll.u32 s5, $0x1;
	s3 =	sadd.s32 s20, s19  }
0x9c: {  	s22 =	simm.s32 $0x0;
	s4 =	sshll.u32 s4, $0x1;
	s5 =	sadd.s32 s21, s3  }
0x9d: {  	[timem:s22], [sflag:s6] =	dma.local [hbm:s5], s4  }
0x9e: {  	_ =	swait.ge [sflag:s6], s4  }
0x9f: {  	s4 =	ssub.s32 $0x0, s4;
	[sflag:s6] =	ssyncset.done $0x0  }
0xa0: {  	[sflag:s6] =	ssyncadd.s32 s4;
	_ =	sdelay $0x1  }
0xa1: {  	s23 =	simm.s32 $0x1B8B  }
0xa2: {  	_ =	swait.ge [sflag:s23], $0x1  }
0xa3: {  	[sflag:s23] =	ssyncset.done $0x0  }
0xa4: {  	[sflag:s23] =	ssyncadd.s32 $0xFFFFFFFF  }
0xa5: {  	s4 =	sld [smem:$0x0]  }
0xa6: {  	s5 =	sand.u32 $0xFFFFFFFE, s1  }
0xa7: {  	p0 =	sne.s32 s1, s5  }
0xa8: {  	s5 =	sshll.u32 @p0 s5, $0xE  }
0xa9: {  	s5 =	sadd.s32 @p0 $0x11B8D, s5;
	s6 =	sshll.u32 @p0 s4, $0x11  }
0xaa: {  	s5 =	sor.u32 @p0 s6, s5  }
0xab: {  	[sflag:s5] =	ssyncadd.remote.s32 @p0 $0x1;
	_ =	sdelay $0x1  }
0xac: {  	s5 =	simm.s32 @p0 $0x1B8D  }
0xad: {  	_ =	swait.eq @p0 [sflag:s5], $0x1  }
0xae: {  	[sflag:s5] =	ssyncadd.s32 @p0 $0xFFFFFFFF  }
0xaf: {  	s6 =	sshll.u32 @!p0 s1, $0xE  }
0xb0: {  	s6 =	sor.u32 @!p0 $0x4000, s6;
	s5 =	simm.s32 @!p0 $0x1B8D  }
0xb1: {  	s4 =	sshll.u32 @!p0 s4, $0x11;
	s6 =	sadd.s32 @!p0 $0x11B8D, s6;
	_ =	swait.eq @!p0 [sflag:s5], $0x1  }
0xb2: {  	s4 =	sor.u32 @!p0 s4, s6;
	[sflag:s5] =	ssyncadd.s32 @!p0 $0xFFFFFFFF  }
0xb3: {  	s25 =	simm.s32 $0x1B8E;
	s24 =	sld [smem:$0x3FFE];
	[sflag:s4] =	ssyncadd.remote.s32 @!p0 $0x1  }
0xb4: {  	s26 =	simm.s32 $execute0_lowered;
	[smem:$0x3FD2] =	sst s25  }
0xb5: {  	s5 =	sshll.u32 s26, $0x1;
	_ =	strace $0x80000049;
	[dreg:$0x1] =	wrdreg $0xFFFFFFFF  }
0xb6: {  	s28 =	simm.s32 $_size_execute0_lowered;
	s3 =	sadd.s32 s3, s5;
	[dreg:$0x0] =	wrdreg $0x0  }
0xb7: {  	s5 =	sshll.u32 s28, $0x1;
	[dreg:$0x2] =	wrdreg s3  }
0xb8: {  	[dreg:$0x3] =	wrdreg s5  }
0xb9: {  	[dreg:$0x4] =	wrdreg $0xC0  }
0xba: {  	_ =	task [dreg:s22], $0x5FFFF  }
0xbb: {  	[dreg:$0x1] =	wrdreg $0xFFFFFFFF  }
0xbc: {  	[dreg:$0x0] =	wrdreg $0x60  }
0xbd: {  	[dreg:$0x2] =	wrdreg s24  }
0xbe: {  	[dreg:$0x3] =	wrdreg $0x41000  }
0xbf: {  	[dreg:$0x4] =	wrdreg $0xA  }
0xc0: {  	_ =	task.clear_ibuf [dreg:s22], $0x5FFFF;
	_ =	strace $0x90000049  }
0xc1: {  	s29 =	simm.s32 $0xA;
	_ =	strace $0x8000004B  }
0xc2: {  	_ =	swait.ge [sflag:s29], $0x1  }
0xc3: {  	[sflag:s29] =	ssyncadd.s32 $0xFFFFFFFF  }
0xc4: {  	_ =	strace $0x9000004B  }
0xc5: {  	_ =	sfence  }
0xc6: {  	s30 =	sld [smem:$0x0];
	_ =	sdelay $0x2  }
0xc7: {  	s31 =	sshll.u32 s1, $0xD;
	s1 =	sshrl.u32 s1, $0x2  }
0xc8: {  	s4 =	sand.u32 $0x4000, s31;
	s1 =	sadd.s32 s1, s30  }
0xc9: {  	s0 =	sor.u32 s4, s0;
	s1 =	sshll.u32 s1, $0x11  }
0xca: {  	s0 =	sor.u32 s1, s0  }
0xcb: {  	s0 =	sadd.s32 $0x8F2B, s0  }
0xcc: {  	[sflag:s0] =	ssyncadd.remote.s32 $0x1  }
0xcd: {  	_ =	sfence.sel $0xFFFF  }
0xce: {  	[dreg:$0x0] =	wrdreg $0xFFFFFFFF;
	(pc) =	sbr.abs _section_cstart, $3  }
0xcf: {  	[dreg:$0x1] =	wrdreg $0xFFFFFFFF  }
0xd0: {  	_ =	task.clear_ibuf [dreg:s22], $0x2FFFF;
	_ =	strace $0x9FFFFFFF  }
0xd1: {  	(tm) =	ssettm $0x7FFFFFFF  }
tec
execute0_lowered:
.L_overlay_start_1:
0x0: {  	(tag) =	ssettag $0x1  }
0x1: {  	s5 =	rddreg [dreg:$0x0]  }
0x2: {  	s2 =	rddreg [dreg:$0x1]  }
0x3: {  	s0 =	rddreg [dreg:$0x2];
	s1 =	stileid.u32  }
0x4: {  	s4 =	srdreg.scid;
	s3 =	simm.s32 $0x0;
	s12 =	simm.s32 $0x2  }
0x5: {  	s13 =	simm.s32 $0x80;
	s14 =	simm.s32 $0x100;
	s6 =	smul.u32 $0x1400, s1  }
0x6: {  	s15 =	simm.s32 $0x1;
	s16 =	simm.s32 $0x0;
	s7 =	smul.u32 $0x14000, s1  }
0x7: {  	s8 =	sand.u32 $0x1, s4;
	[smem:$0x7FF] =	sst s3;
	s11 =	smul.u32 $0x50000, s1  }
0x8: {  	s4 =	sadd.s32 $0x69A00, s5;
	s31 =	sshll.u32 s1, $0x6;
	s9 =	smul.u32 $0x140000, s8  }
0x9: {  	_ =	strace $0x8000004A;
	s28 =	ssub.s32 $0x2, s8;
	s8 =	smul.u32 $0xA00, s8  }
0xa: {  	s10 =	sadd.s32 s6, s5;
	s26 =	sshrl.u32 s7, $0x3;
	s29 =	sshrl.u32 s28, $0x1  }
0xb: {  	s30 =	sshrl.u32 s11, $0x2;
	s7 =	sadd.s32 s7, s9;
	s6 =	sadd.s32 s26, s5  }
0xc: {  	s9 =	ssub.s32 s28, s29;
	s11 =	sadd.s32 s30, s2;
	s10 =	sadd.s32 s8, s10  }
0xd: {  	s7 =	sshrl.u32 s7, $0x3;
	s8 =	smax.u32 s9, $0x1;
	s9 =	sadd.s32 $0x19A00, s10  }
0xe: {  	s10 =	sadd.s32 $0x2DA00, s10;
	s11 =	sshrl.u32 s11, $0x3;
	s7 =	sadd.s32 s7, s5  }
0xf: {  	s5 =	sadd.s32 $0x91A00, s6;
	s6 =	sor.u32 $0x1C02, s31;
	s7 =	sadd.s32 $0x109A00, s7  }
.LBB2_1:
0x10: {  	[spmem:s11], [sflag:s6] =	dma.local [hbm:s5], $0x2800  }
0x11: {  	_ =	swait.ge [sflag:s12], $0x2800  }
0x12: {  	[sflag:s12] =	ssyncset.done $0x0  }
0x13: {  	[sflag:s12] =	ssyncadd.s32 $0xFFFFD800  }
0x14: {  	s17 =	sadd.s32 $0x0, s10;
	[bflag:$0x0] =	sbarrier.arrive $0xFFFF  }
0x15: {  	[tilespmem:s3], [sflag:$0x2] =	stream.linear.gather [hbm4b:s17+s3], $0x80, $0x38;
	[tilespmem:$0x18100] =	vst v63  }
0x16: {  	_ =	swait.ge [sflag:s12], $0x80  }
0x17: {  	[sflag:s12] =	ssyncset.done $0x0  }
0x18: {  	s31 =	sadd.s32 $0x0, s9;
	[sflag:s12] =	ssyncadd.s32 $0xFFFFFF80  }
0x19: {  	[tilespmem:s13], [sflag:$0x2] =	stream.linear.gather [hbm4b:s31+s3], $0x80, $0x38;
	[tilespmem:$0x18100] =	vst v63  }
0x1a: {  	_ =	swait.ge [sflag:s12], $0x80  }
0x1b: {  	[sflag:s12] =	ssyncset.done $0x0  }
0x1c: {  	[sflag:s12] =	ssyncadd.s32 $0xFFFFFF80  }
0x1d: {  	[tilespmem:s14], [sflag:$0x1] =	stream.indirect.gather [hbm4b:s4+s13], $0x80, s3, s13, $0xb8;
	[tilespmem:$0x18100] =	vst v63  }
0x1e: {  	_ =	swait.ge [sflag:s15], $0x4000  }
0x1f: {  	[sflag:s15] =	ssyncset.done $0x0  }
0x20: {  	[sflag:s15] =	ssyncadd.s32 $0xFFFFC000  }
0x21: {  	[spmem:s2] =	stream.indirect.scatter.add.f32 [tilespmem:s14], [sflag:$0x2], $0x80, s13, s13, $0xb8;
	[tilespmem:$0x18100] =	vst v63  }
0x22: {  	_ =	swait.ge [sflag:s12], $0x4000  }
0x23: {  	s18 =	simm.s32 $0x20;
	s17 =	simm.s32 $0x10;
	[sflag:s12] =	ssyncset.done $0x0  }
.LBB2_2:
0x24: {  	s19 =	sadd.s32 s17, s10  }
0x25: {  	[sflag:s12] =	ssyncadd.s32 $0xFFFFC000;
	s20 =	smov.u32 s18;
	s21 =	sadd.s32 $0x10, s18  }
0x26: {  	[tilespmem:s3], [sflag:$0x2] =	stream.linear.gather [hbm4b:s19+s3], $0x80, $0x38;
	[tilespmem:$0x18100] =	vst v63  }
0x27: {  	p0 =	sne.s32 s18, $0x9F0;
	_ =	swait.ge [sflag:s12], $0x80  }
0x28: {  	[sflag:s12] =	ssyncset.done $0x0  }
0x29: {  	s18 =	sadd.s32 s17, s9;
	s17 =	smov.u32 s20;
	[sflag:s12] =	ssyncadd.s32 $0xFFFFFF80  }
0x2a: {  	[tilespmem:s13], [sflag:$0x2] =	stream.linear.gather [hbm4b:s18+s3], $0x80, $0x38;
	[tilespmem:$0x18100] =	vst v63  }
0x2b: {  	_ =	swait.ge [sflag:s12], $0x80  }
0x2c: {  	[sflag:s12] =	ssyncset.done $0x0  }
0x2d: {  	[sflag:s12] =	ssyncadd.s32 $0xFFFFFF80  }
0x2e: {  	[tilespmem:s14], [sflag:$0x1] =	stream.indirect.gather [hbm4b:s4+s13], $0x80, s3, s13, $0xb8;
	[tilespmem:$0x18100] =	vst v63  }
0x2f: {  	_ =	swait.ge [sflag:s15], $0x4000  }
.Ltmp0:
0x30: {  	[sflag:s15] =	ssyncset.done $0x0;
	(pc) =	sbr.rel @p0 .LBB2_2-.Ltmp0, $4  }
0x31: {  	[sflag:s15] =	ssyncadd.s32 $0xFFFFC000  }
0x32: {  	[spmem:s2] =	stream.indirect.scatter.add.f32 [tilespmem:s14], [sflag:$0x2], $0x80, s13, s13, $0xb8;
	[tilespmem:$0x18100] =	vst v63  }
0x33: {  	_ =	swait.ge [sflag:s12], $0x4000  }
0x34: {  	s18 =	smov.u32 s21;
	[sflag:s12] =	ssyncset.done $0x0  }
0x35: {  	s18 =	sadd.s32 s17, s10;
	[sflag:s12] =	ssyncadd.s32 $0xFFFFC000  }
0x36: {  	[tilespmem:s3], [sflag:$0x2] =	stream.linear.gather [hbm4b:s18+s3], $0x80, $0x38;
	[tilespmem:$0x18100] =	vst v63  }
0x37: {  	_ =	swait.ge [sflag:s12], $0x80  }
0x38: {  	[sflag:s12] =	ssyncset.done $0x0  }
0x39: {  	s31 =	sadd.s32 s17, s9;
	[sflag:s12] =	ssyncadd.s32 $0xFFFFFF80  }
0x3a: {  	[tilespmem:s13], [sflag:$0x2] =	stream.linear.gather [hbm4b:s31+s3], $0x80, $0x38;
	[tilespmem:$0x18100] =	vst v63  }
0x3b: {  	_ =	swait.ge [sflag:s12], $0x80  }
0x3c: {  	[sflag:s12] =	ssyncset.done $0x0  }
0x3d: {  	[sflag:s12] =	ssyncadd.s32 $0xFFFFFF80  }
0x3e: {  	[tilespmem:s14], [sflag:$0x1] =	stream.indirect.gather [hbm4b:s4+s13], $0x80, s3, s13, $0xb8;
	[tilespmem:$0x18100] =	vst v63  }
0x3f: {  	_ =	swait.ge [sflag:s15], $0x4000  }
0x40: {  	[sflag:s15] =	ssyncset.done $0x0  }
0x41: {  	[sflag:s15] =	ssyncadd.s32 $0xFFFFC000  }
0x42: {  	[spmem:s2] =	stream.indirect.scatter.add.f32 [tilespmem:s14], [sflag:$0x2], $0x80, s13, s13, $0xb8;
	[tilespmem:$0x18100] =	vst v63  }
0x43: {  	_ =	swait.ge [sflag:s12], $0x4000  }
0x44: {  	s16 =	sadd.s32 $0x1, s16;
	[sflag:s12] =	ssyncset.done $0x0  }
0x45: {  	p0 =	sne.s32 s16, s8;
	[sflag:s12] =	ssyncadd.s32 $0xFFFFC000  }
.Ltmp1:
0x46: {  	[bflag:$0x0] =	sbarrier.arrive $0xFFFF;
	(pc) =	sbr.rel @p0 .LBB2_1-.Ltmp1, $4  }
0x47: {  	[hbm:s7], [sflag:s6] =	dma.local [spmem:s11], $0x2800  }
0x48: {  	_ =	swait.ge [sflag:s12], $0x2800  }
0x49: {  	[sflag:s12] =	ssyncset.done $0x0  }
0x4a: {  	[sflag:s12] =	ssyncadd.s32 $0xFFFFD800  }
0x4b: {  	_ =	sfence.sel $0x180000  }
0x4c: {  	[bflag:$0x0] =	sbarrier.arrive $0xFFFF  }
0x4d: {  	p0 =	sne.s32 s1, $0x0;
	_ =	strace $0x9000004A  }
0x4e: {  	s0 =	sadd.s32 @!p0 $0x100000, s0;
	[bflag:$0x2] =	sbarrier.arrive $0xFFFF  }
0x4f: {  	[sflag:s0] =	ssyncadd.tile.s32 @!p0 $0x1;
	_ =	shalt  }
.Lfunc_end2:
_tile_overlayer_lowered:
.L_overlay_start_2:
0x50: {  	(tag) =	ssettag $0x2  }
0x51: {  	s0 =	rddreg [dreg:$0x0];
	s2 =	stileid.u32  }
0x52: {  	s1 =	rddreg [dreg:$0x1];
	p0 =	sne.s32 s2, $0x0  }
0x53: {  	s3 =	rddreg [dreg:$0x2];
	[bflag:$0x3] =	sbarrier.arrive $0xFFFF;
	s2 =	simm.s32 @!p0 $0x1C02  }
0x54: {  	[timem:s3], [sflag:s2] =	dma.local @!p0 [hbm:s0], s1  }
0x55: {  	s0 =	simm.s32 @!p0 $0x2  }
0x56: {  	_ =	swait.ge @!p0 [sflag:s0], s1  }
0x57: {  	s1 =	ssub.s32 @!p0 $0x0, s1;
	[sflag:s0] =	ssyncset.done @!p0 $0x0  }
0x58: {  	[sflag:s0] =	ssyncadd.s32 @!p0 s1  }
0x59: {  	[bflag:$0x3] =	sbarrier.arrive $0xFFFF  }
0x5a: {  	_ =	shalt  }

// kernel: kernel.19.cloned.1.call-start
scs
__scs_entry_jumppad:
0x0: {  	(pc) =	sbr.rel $0x88, $3  }
0x1: {  	(tag) =	ssettag $0x0;
	lr =	simm.s32 $0x1  }
0x2: {  	[smem:$0x3F91] =	sst lr;
	_ =	strace $0xD0000000  }
0x3: {  	_ = 	snop  }
0x4: {  	_ = 	snop  }
0x5: {  	_ = 	snop  }
0x6: {  	_ = 	snop  }
0x7: {  	_ = 	snop  }
__scs_overlays_trampoline_lowered:
0x8: {  	[smem:$0x3FA0] =	sst s0  }
0x9: {  	[smem:$0x3FA1] =	sst s1  }
0xa: {  	[smem:$0x3FA2] =	sst s2  }
0xb: {  	[smem:$0x3FA3] =	sst s3  }
0xc: {  	[smem:$0x3FA4] =	sst s4  }
0xd: {  	[smem:$0x3FA5] =	sst s5  }
0xe: {  	[smem:$0x3FA6] =	sst s6  }
0xf: {  	[smem:$0x3FA7] =	sst s7  }
0x10: {  	[smem:$0x3FA8] =	sst s8  }
0x11: {  	[smem:$0x3FA9] =	sst s9;
	s0 =	simm.s32 @!p0 $0x0  }
0x12: {  	s1 =	sld [smem:$0x3F8F];
	s0 =	simm.s32 @p0 $0x1  }
0x13: {  	[smem:$0x3FAA] =	sst s0;
	s0 =	simm.s32 @!p1 $0x0  }
0x14: {  	s2 =	sld [smem:$0x3F8E];
	s0 =	simm.s32 @p1 $0x1  }
0x15: {  	[smem:$0x3FAB] =	sst s0;
	s0 =	simm.s32 @!p2 $0x0  }
0x16: {  	s3 =	sld [smem:$0x3FDB];
	s0 =	simm.s32 @p2 $0x1  }
0x17: {  	s4 =	simm.s32 $0x1BF5;
	[smem:$0x3FAD] =	sst s0  }
0x18: {  	s0 =	sld [smem:$0x3F90];
	_ =	swait.ge [sflag:s4], $0x0  }
0x19: {  	s7 =	sld [smem:$0x3F91]  }
0x1a: {  	s8 =	sadd.s32 $0xFFFFE003, lr  }
0x1b: {  	s9 =	sadd.s32 $0xFFFFFEF7, lr;
	s5 =	simm.s32 $0xFFFFFFFF;
	p2 =	slt.u32 s8, $0xFFFFF086  }
0x1c: {  	p1 =	slt.u32 s9, $0xF7A;
	s5 =	simm.s32 @!p2 $0x0  }
0x1d: {  	s5 =	simm.s32 @p1 $0x1;
	p0 =	seq.s32 s7, s2  }
0x1e: {  	s7 =	smul.u32 @!p0 $0xF7A, s2;
	p2 =	seq.s32 @!p0 s5, $0x0  }
0x1f: {  	s9 =	smul.u32 $0xF7A, s1;
	s8 =	simm.s32 @!p0 $0x1BF5;
	p2 =	por !p2, p0  }
0x20: {  	[sflag:s8] =	ssyncset.s32 @!p0 $0xFFFFF086;
	s6 =	sadd.s32 @!p0 s3, s7;
	s7 =	simm.s32 @!p0 $0x108  }
0x21: {  	s3 =	sadd.s32 s3, s9;
	s6 =	sadd.s32 @!p0 $0x88, s6;
	s7 =	simm.s32 @p2 $0x1082  }
0x22: {  	[simem:s7], [sflag:s8] =	dma.local @!p0 [hbm:s6], $0xF7A  }
0x23: {  	s9 =	sor.u32 $0xD0000000, s2;
	s6 =	simm.s32 $0x108;
	_ =	swait.ge @!p0 [sflag:s8], $0x0  }
0x24: {  	s3 =	sadd.s32 $0x88, s3;
	s6 =	simm.s32 @!p1 $0x1082;
	[sflag:s4] =	ssyncset.s32 $0xFFFFF086  }
0x25: {  	[simem:s6], [sflag:s4] =	dma.local [hbm:s3], $0xF7A  }
0x26: {  	[smem:$0x3F91] =	sst s1;
	(tag) =	ssettag s2;
	_ =	strace s9  }
0x27: {  	s1 =	sld [smem:$0x3FA1]  }
0x28: {  	s2 =	sld [smem:$0x3FA2]  }
0x29: {  	s4 =	sld [smem:$0x3FA4]  }
0x2a: {  	p0 =	seq.s32 s5, $0x0;
	s5 =	sld [smem:$0x3FA5]  }
0x2b: {  	s6 =	sld [smem:$0x3FA6]  }
0x2c: {  	s7 =	sld [smem:$0x3FA7]  }
0x2d: {  	s3 =	simm.s32 $0x108;
	s8 =	sld [smem:$0x3FA8]  }
0x2e: {  	s3 =	simm.s32 @!p0 $0x1082;
	s9 =	sld [smem:$0x3FA9]  }
0x2f: {  	lr =	sadd.s32 s0, s3;
	s0 =	sld [smem:$0x3FA0]  }
0x30: {  	s3 =	sld [smem:$0x3FA3]  }
0x31: {  	[smem:$0x3FAC] =	sst s10  }
0x32: {  	s10 =	sld [smem:$0x3FAA];
	_ =	sdelay $0x3  }
0x33: {  	p0 =	seq.s32 s10, $0x1;
	s10 =	sld [smem:$0x3FAC];
	_ =	sdelay $0x3  }
0x34: {  	[smem:$0x3FAC] =	sst s10  }
0x35: {  	s10 =	sld [smem:$0x3FAB];
	_ =	sdelay $0x3  }
0x36: {  	p1 =	seq.s32 s10, $0x1;
	s10 =	sld [smem:$0x3FAC];
	_ =	sdelay $0x3  }
0x37: {  	[smem:$0x3FAC] =	sst s10  }
0x38: {  	s10 =	sld [smem:$0x3FAD]  }
0x39: {  	_ = 	snop;
	(pc) =	sbr.ind lr, $3  }
0x3a: {  	_ = 	snop  }
0x3b: {  	_ = 	snop  }
0x3c: {  	p2 =	seq.s32 s10, $0x1;
	s10 =	sld [smem:$0x3FAC]  }
0x3d: {  	_ =	shalt  }
0x3e: {  	_ =	shalt  }
0x3f: {  	_ =	shalt  }
0x40: {  	_ =	shalt  }
0x41: {  	_ =	shalt  }
0x42: {  	_ =	shalt  }
0x43: {  	_ =	shalt  }
0x44: {  	_ =	shalt  }
0x45: {  	_ =	shalt  }
0x46: {  	_ =	shalt  }
0x47: {  	_ =	shalt  }
0x48: {  	_ =	shalt  }
0x49: {  	_ =	shalt  }
0x4a: {  	_ =	shalt  }
0x4b: {  	_ =	shalt  }
0x4c: {  	_ =	shalt  }
0x4d: {  	_ =	shalt  }
0x4e: {  	_ =	shalt  }
0x4f: {  	_ =	shalt  }
0x50: {  	_ =	shalt  }
0x51: {  	_ =	shalt  }
0x52: {  	_ =	shalt  }
0x53: {  	_ =	shalt  }
0x54: {  	_ =	shalt  }
0x55: {  	_ =	shalt  }
0x56: {  	_ =	shalt  }
0x57: {  	_ =	shalt  }
0x58: {  	_ =	shalt  }
0x59: {  	_ =	shalt  }
0x5a: {  	_ =	shalt  }
0x5b: {  	_ =	shalt  }
0x5c: {  	_ =	shalt  }
0x5d: {  	_ =	shalt  }
0x5e: {  	_ =	shalt  }
0x5f: {  	_ =	shalt  }
0x60: {  	_ =	shalt  }
0x61: {  	_ =	shalt  }
0x62: {  	_ =	shalt  }
0x63: {  	_ =	shalt  }
0x64: {  	_ =	shalt  }
0x65: {  	_ =	shalt  }
0x66: {  	_ =	shalt  }
0x67: {  	_ =	shalt  }
0x68: {  	_ =	shalt  }
0x69: {  	_ =	shalt  }
0x6a: {  	_ =	shalt  }
0x6b: {  	_ =	shalt  }
0x6c: {  	_ =	shalt  }
0x6d: {  	_ =	shalt  }
0x6e: {  	_ =	shalt  }
0x6f: {  	_ =	shalt  }
0x70: {  	_ =	shalt  }
0x71: {  	_ =	shalt  }
0x72: {  	_ =	shalt  }
0x73: {  	_ =	shalt  }
0x74: {  	_ =	shalt  }
0x75: {  	_ =	shalt  }
0x76: {  	_ =	shalt  }
0x77: {  	_ =	shalt  }
0x78: {  	_ =	shalt  }
0x79: {  	_ =	shalt  }
0x7a: {  	_ =	shalt  }
0x7b: {  	_ =	shalt  }
0x7c: {  	_ =	shalt  }
0x7d: {  	_ =	shalt  }
0x7e: {  	_ =	shalt  }
0x7f: {  	_ =	shalt  }
0x80: {  	_ =	shalt  }
0x81: {  	_ =	shalt  }
0x82: {  	_ =	shalt  }
0x83: {  	_ =	shalt  }
0x84: {  	_ =	shalt  }
0x85: {  	_ =	shalt  }
0x86: {  	_ =	shalt  }
0x87: {  	_ =	shalt  }
.Lfunc_end0:
.L_simem_size_0:
called_computation.2_lowered:
.L_overlay_start_0:
0x88: {  	s2 =	sld [smem:$0x3FD9]  }
0x89: {  	s3 =	sld [smem:$0x3FFE];
	_ =	sdelay $0x1  }
0x8a: {  	s1 =	srdreg.scid  }
0x8b: {  	s0 =	sand.u32 $0x1, s1  }
0x8c: {  	s16 =	sshll.u32 s0, $0xA;
	s2 =	sadd.s32 s3, s2  }
0x8d: {  	s2 =	sadd.s32 s2, s16  }
0x8e: {  	[smem:$0x3FB8] =	sst s2  }
0x8f: {  	_ = 	snop  }
0x90: {  	(tm) =	ssettm $0x1  }
0x91: {  	s17 =	sld [smem:$0x3FFB];
	_ =	sdelay $0x3  }
0x92: {  	_ =	strace s17  }
0x93: {  	s2 =	sld [smem:$0x3FFC];
	_ =	sdelay $0x3  }
0x94: {  	_ =	strace s2  }
0x95: {  	s2 =	sld [smem:$0x3FFD];
	_ =	sdelay $0x3  }
0x96: {  	_ =	strace s2  }
0x97: {  	_ =	strace $0x8FFFFFFF  }
0x98: {  	s18 =	sld [smem:$0x3FDB];
	_ =	sdelay $0x1  }
0x99: {  	s19 =	simm.s32 $_scs_section_size  }
0x9a: {  	s4 =	simm.s32 $_size__tile_overlayer_lowered;
	s5 =	simm.s32 $_tile_overlayer_lowered  }
0x9b: {  	s22 =	simm.s32 $0x1BFF;
	s21 =	sshll.u32 s5, $0x1;
	s2 =	sadd.s32 s19, s18  }
0x9c: {  	s6 =	simm.s32 $0x0;
	s20 =	sshll.u32 s4, $0x1;
	s4 =	sadd.s32 s21, s2  }
0x9d: {  	[timem:s6], [sflag:s22] =	dma.local [hbm:s4], s20  }
0x9e: {  	_ =	swait.ge [sflag:s22], s20  }
0x9f: {  	s3 =	ssub.s32 $0x0, s20;
	[sflag:s22] =	ssyncset.done $0x0  }
0xa0: {  	[sflag:s22] =	ssyncadd.s32 s3;
	_ =	sdelay $0x1  }
0xa1: {  	s23 =	simm.s32 $0x1B8B  }
0xa2: {  	_ =	swait.ge [sflag:s23], $0x1  }
0xa3: {  	[sflag:s23] =	ssyncset.done $0x0  }
0xa4: {  	s25 =	simm.s32 $0x1B8E;
	s24 =	sld [smem:$0x3FFE];
	[sflag:s23] =	ssyncadd.s32 $0xFFFFFFFF  }
0xa5: {  	s26 =	simm.s32 $execute0_lowered;
	[smem:$0x3FD2] =	sst s25  }
0xa6: {  	s4 =	sshll.u32 s26, $0x1;
	_ =	strace $0x8000004C;
	[dreg:$0x1] =	wrdreg $0xFFFFFFFF  }
0xa7: {  	s28 =	simm.s32 $_size_execute0_lowered;
	s2 =	sadd.s32 s2, s4;
	[dreg:$0x0] =	wrdreg $0x0  }
0xa8: {  	s4 =	sshll.u32 s28, $0x1;
	[dreg:$0x2] =	wrdreg s2  }
0xa9: {  	[dreg:$0x3] =	wrdreg s4  }
0xaa: {  	[dreg:$0x4] =	wrdreg $0xC0  }
0xab: {  	_ =	task [dreg:s6], $0x5FFFF  }
0xac: {  	[dreg:$0x1] =	wrdreg $0xFFFFFFFF  }
0xad: {  	[dreg:$0x0] =	wrdreg $0x60  }
0xae: {  	[dreg:$0x2] =	wrdreg s24  }
0xaf: {  	[dreg:$0x3] =	wrdreg $0x41000  }
0xb0: {  	[dreg:$0x4] =	wrdreg $0x9  }
0xb1: {  	_ =	task.clear_ibuf [dreg:s6], $0x5FFFF;
	_ =	strace $0x9000004C  }
0xb2: {  	s29 =	simm.s32 $0x9;
	_ =	strace $0x8000004E  }
0xb3: {  	_ =	swait.ge [sflag:s29], $0x1  }
0xb4: {  	[sflag:s29] =	ssyncadd.s32 $0xFFFFFFFF  }
0xb5: {  	_ =	strace $0x9000004E  }
0xb6: {  	_ =	sfence  }
0xb7: {  	s30 =	sld [smem:$0x0];
	_ =	sdelay $0x2  }
0xb8: {  	s31 =	sshll.u32 s1, $0xD;
	s1 =	sshrl.u32 s1, $0x2  }
0xb9: {  	s3 =	sand.u32 $0x4000, s31;
	s1 =	sadd.s32 s1, s30  }
0xba: {  	s0 =	sor.u32 s3, s0;
	s1 =	sshll.u32 s1, $0x11  }
0xbb: {  	s0 =	sor.u32 s1, s0  }
0xbc: {  	s0 =	sadd.s32 $0x8F2B, s0  }
0xbd: {  	[sflag:s0] =	ssyncadd.remote.s32 $0x1  }
0xbe: {  	_ =	sfence.sel $0xFFFF  }
0xbf: {  	[dreg:$0x0] =	wrdreg $0xFFFFFFFF;
	(pc) =	sbr.abs _section_cstart, $3  }
0xc0: {  	[dreg:$0x1] =	wrdreg $0xFFFFFFFF  }
0xc1: {  	_ =	task.clear_ibuf [dreg:s6], $0x2FFFF;
	_ =	strace $0x9FFFFFFF  }
0xc2: {  	(tm) =	ssettm $0x7FFFFFFF  }
0xc3: {  	_ =	shalt  }
tec
execute0_lowered:
.L_overlay_start_1:
0x0: {  	(tag) =	ssettag $0x1  }
0x1: {  	s5 =	rddreg [dreg:$0x0]  }
0x2: {  	s2 =	rddreg [dreg:$0x1]  }
0x3: {  	s0 =	rddreg [dreg:$0x2];
	s1 =	stileid.u32  }
0x4: {  	s4 =	srdreg.scid;
	s3 =	simm.s32 $0x0;
	s12 =	simm.s32 $0x2  }
0x5: {  	s13 =	simm.s32 $0x80;
	s14 =	simm.s32 $0x100;
	s6 =	smul.u32 $0x1400, s1  }
0x6: {  	s15 =	simm.s32 $0x1;
	s16 =	simm.s32 $0x0;
	s7 =	smul.u32 $0x14000, s1  }
0x7: {  	s8 =	sand.u32 $0x1, s4;
	[smem:$0x7FF] =	sst s3;
	s11 =	smul.u32 $0x50000, s1  }
0x8: {  	s4 =	sadd.s32 $0x41A00, s5;
	s31 =	sshll.u32 s1, $0x6;
	s9 =	smul.u32 $0x140000, s8  }
0x9: {  	_ =	strace $0x8000004D;
	s28 =	ssub.s32 $0x2, s8;
	s8 =	smul.u32 $0xA00, s8  }
0xa: {  	s10 =	sadd.s32 s6, s5;
	s26 =	sshrl.u32 s7, $0x3;
	s29 =	sshrl.u32 s28, $0x1  }
0xb: {  	s30 =	sshrl.u32 s11, $0x2;
	s7 =	sadd.s32 s7, s9;
	s6 =	sadd.s32 s26, s5  }
0xc: {  	s9 =	ssub.s32 s28, s29;
	s11 =	sadd.s32 s30, s2;
	s10 =	sadd.s32 s8, s10  }
0xd: {  	s7 =	sshrl.u32 s7, $0x3;
	s8 =	smax.u32 s9, $0x1;
	s9 =	sadd.s32 $0x19A00, s10  }
0xe: {  	s10 =	sadd.s32 $0x2DA00, s10;
	s11 =	sshrl.u32 s11, $0x3;
	s7 =	sadd.s32 s7, s5  }
0xf: {  	s5 =	sadd.s32 $0x91A00, s6;
	s6 =	sor.u32 $0x1C02, s31;
	s7 =	sadd.s32 $0x109A00, s7  }
.LBB2_1:
0x10: {  	[spmem:s11], [sflag:s6] =	dma.local [hbm:s5], $0x2800  }
0x11: {  	_ =	swait.ge [sflag:s12], $0x2800  }
0x12: {  	[sflag:s12] =	ssyncset.done $0x0  }
0x13: {  	[sflag:s12] =	ssyncadd.s32 $0xFFFFD800  }
0x14: {  	s17 =	sadd.s32 $0x0, s10;
	[bflag:$0x0] =	sbarrier.arrive $0xFFFF  }
0x15: {  	[tilespmem:s3], [sflag:$0x2] =	stream.linear.gather [hbm4b:s17+s3], $0x80, $0x38;
	[tilespmem:$0x18100] =	vst v63  }
0x16: {  	_ =	swait.ge [sflag:s12], $0x80  }
0x17: {  	[sflag:s12] =	ssyncset.done $0x0  }
0x18: {  	s31 =	sadd.s32 $0x0, s9;
	[sflag:s12] =	ssyncadd.s32 $0xFFFFFF80  }
0x19: {  	[tilespmem:s13], [sflag:$0x2] =	stream.linear.gather [hbm4b:s31+s3], $0x80, $0x38;
	[tilespmem:$0x18100] =	vst v63  }
0x1a: {  	_ =	swait.ge [sflag:s12], $0x80  }
0x1b: {  	[sflag:s12] =	ssyncset.done $0x0  }
0x1c: {  	[sflag:s12] =	ssyncadd.s32 $0xFFFFFF80  }
0x1d: {  	[tilespmem:s14], [sflag:$0x1] =	stream.indirect.gather [hbm4b:s4+s13], $0x80, s3, s13, $0xb8;
	[tilespmem:$0x18100] =	vst v63  }
0x1e: {  	_ =	swait.ge [sflag:s15], $0x4000  }
0x1f: {  	[sflag:s15] =	ssyncset.done $0x0  }
0x20: {  	[sflag:s15] =	ssyncadd.s32 $0xFFFFC000  }
0x21: {  	[spmem:s2] =	stream.indirect.scatter.add.f32 [tilespmem:s14], [sflag:$0x2], $0x80, s13, s13, $0xb8;
	[tilespmem:$0x18100] =	vst v63  }
0x22: {  	_ =	swait.ge [sflag:s12], $0x4000  }
0x23: {  	s18 =	simm.s32 $0x20;
	s17 =	simm.s32 $0x10;
	[sflag:s12] =	ssyncset.done $0x0  }
.LBB2_2:
0x24: {  	s19 =	sadd.s32 s17, s10  }
0x25: {  	[sflag:s12] =	ssyncadd.s32 $0xFFFFC000;
	s20 =	smov.u32 s18;
	s21 =	sadd.s32 $0x10, s18  }
0x26: {  	[tilespmem:s3], [sflag:$0x2] =	stream.linear.gather [hbm4b:s19+s3], $0x80, $0x38;
	[tilespmem:$0x18100] =	vst v63  }
0x27: {  	p0 =	sne.s32 s18, $0x9F0;
	_ =	swait.ge [sflag:s12], $0x80  }
0x28: {  	[sflag:s12] =	ssyncset.done $0x0  }
0x29: {  	s18 =	sadd.s32 s17, s9;
	s17 =	smov.u32 s20;
	[sflag:s12] =	ssyncadd.s32 $0xFFFFFF80  }
0x2a: {  	[tilespmem:s13], [sflag:$0x2] =	stream.linear.gather [hbm4b:s18+s3], $0x80, $0x38;
	[tilespmem:$0x18100] =	vst v63  }
0x2b: {  	_ =	swait.ge [sflag:s12], $0x80  }
0x2c: {  	[sflag:s12] =	ssyncset.done $0x0  }
0x2d: {  	[sflag:s12] =	ssyncadd.s32 $0xFFFFFF80  }
0x2e: {  	[tilespmem:s14], [sflag:$0x1] =	stream.indirect.gather [hbm4b:s4+s13], $0x80, s3, s13, $0xb8;
	[tilespmem:$0x18100] =	vst v63  }
0x2f: {  	_ =	swait.ge [sflag:s15], $0x4000  }
.Ltmp0:
0x30: {  	[sflag:s15] =	ssyncset.done $0x0;
	(pc) =	sbr.rel @p0 .LBB2_2-.Ltmp0, $4  }
0x31: {  	[sflag:s15] =	ssyncadd.s32 $0xFFFFC000  }
0x32: {  	[spmem:s2] =	stream.indirect.scatter.add.f32 [tilespmem:s14], [sflag:$0x2], $0x80, s13, s13, $0xb8;
	[tilespmem:$0x18100] =	vst v63  }
0x33: {  	_ =	swait.ge [sflag:s12], $0x4000  }
0x34: {  	s18 =	smov.u32 s21;
	[sflag:s12] =	ssyncset.done $0x0  }
0x35: {  	s18 =	sadd.s32 s17, s10;
	[sflag:s12] =	ssyncadd.s32 $0xFFFFC000  }
0x36: {  	[tilespmem:s3], [sflag:$0x2] =	stream.linear.gather [hbm4b:s18+s3], $0x80, $0x38;
	[tilespmem:$0x18100] =	vst v63  }
0x37: {  	_ =	swait.ge [sflag:s12], $0x80  }
0x38: {  	[sflag:s12] =	ssyncset.done $0x0  }
0x39: {  	s31 =	sadd.s32 s17, s9;
	[sflag:s12] =	ssyncadd.s32 $0xFFFFFF80  }
0x3a: {  	[tilespmem:s13], [sflag:$0x2] =	stream.linear.gather [hbm4b:s31+s3], $0x80, $0x38;
	[tilespmem:$0x18100] =	vst v63  }
0x3b: {  	_ =	swait.ge [sflag:s12], $0x80  }
0x3c: {  	[sflag:s12] =	ssyncset.done $0x0  }
0x3d: {  	[sflag:s12] =	ssyncadd.s32 $0xFFFFFF80  }
0x3e: {  	[tilespmem:s14], [sflag:$0x1] =	stream.indirect.gather [hbm4b:s4+s13], $0x80, s3, s13, $0xb8;
	[tilespmem:$0x18100] =	vst v63  }
0x3f: {  	_ =	swait.ge [sflag:s15], $0x4000  }
0x40: {  	[sflag:s15] =	ssyncset.done $0x0  }
0x41: {  	[sflag:s15] =	ssyncadd.s32 $0xFFFFC000  }
0x42: {  	[spmem:s2] =	stream.indirect.scatter.add.f32 [tilespmem:s14], [sflag:$0x2], $0x80, s13, s13, $0xb8;
	[tilespmem:$0x18100] =	vst v63  }
0x43: {  	_ =	swait.ge [sflag:s12], $0x4000  }
0x44: {  	s16 =	sadd.s32 $0x1, s16;
	[sflag:s12] =	ssyncset.done $0x0  }
0x45: {  	p0 =	sne.s32 s16, s8;
	[sflag:s12] =	ssyncadd.s32 $0xFFFFC000  }
.Ltmp1:
0x46: {  	[bflag:$0x0] =	sbarrier.arrive $0xFFFF;
	(pc) =	sbr.rel @p0 .LBB2_1-.Ltmp1, $4  }
0x47: {  	[hbm:s7], [sflag:s6] =	dma.local [spmem:s11], $0x2800  }
0x48: {  	_ =	swait.ge [sflag:s12], $0x2800  }
0x49: {  	[sflag:s12] =	ssyncset.done $0x0  }
0x4a: {  	[sflag:s12] =	ssyncadd.s32 $0xFFFFD800  }
0x4b: {  	_ =	sfence.sel $0x180000  }
0x4c: {  	[bflag:$0x0] =	sbarrier.arrive $0xFFFF  }
0x4d: {  	p0 =	sne.s32 s1, $0x0;
	_ =	strace $0x9000004D  }
0x4e: {  	s0 =	sadd.s32 @!p0 $0x100000, s0;
	[bflag:$0x2] =	sbarrier.arrive $0xFFFF  }
0x4f: {  	[sflag:s0] =	ssyncadd.tile.s32 @!p0 $0x1;
	_ =	shalt  }
.Lfunc_end2:
_tile_overlayer_lowered:
.L_overlay_start_2:
0x50: {  	(tag) =	ssettag $0x2  }
0x51: {  	s0 =	rddreg [dreg:$0x0];
	s2 =	stileid.u32  }
0x52: {  	s1 =	rddreg [dreg:$0x1];
	p0 =	sne.s32 s2, $0x0  }
0x53: {  	s3 =	rddreg [dreg:$0x2];
	[bflag:$0x3] =	sbarrier.arrive $0xFFFF;
	s2 =	simm.s32 @!p0 $0x1C02  }
0x54: {  	[timem:s3], [sflag:s2] =	dma.local @!p0 [hbm:s0], s1  }
0x55: {  	s0 =	simm.s32 @!p0 $0x2  }
0x56: {  	_ =	swait.ge @!p0 [sflag:s0], s1  }
0x57: {  	s1 =	ssub.s32 @!p0 $0x0, s1;
	[sflag:s0] =	ssyncset.done @!p0 $0x0  }
0x58: {  	[sflag:s0] =	ssyncadd.s32 @!p0 s1  }
0x59: {  	[bflag:$0x3] =	sbarrier.arrive $0xFFFF  }
0x5a: {  	_ =	shalt  }

// kernel: kernel.22.cloned.1.call-start
scs
__scs_entry_jumppad:
0x0: {  	(pc) =	sbr.rel $0x88, $3  }
0x1: {  	(tag) =	ssettag $0x0;
	lr =	simm.s32 $0x1  }
0x2: {  	[smem:$0x3F91] =	sst lr;
	_ =	strace $0xD0000000  }
0x3: {  	_ = 	snop  }
0x4: {  	_ = 	snop  }
0x5: {  	_ = 	snop  }
0x6: {  	_ = 	snop  }
0x7: {  	_ = 	snop  }
__scs_overlays_trampoline_lowered:
0x8: {  	[smem:$0x3FA0] =	sst s0  }
0x9: {  	[smem:$0x3FA1] =	sst s1  }
0xa: {  	[smem:$0x3FA2] =	sst s2  }
0xb: {  	[smem:$0x3FA3] =	sst s3  }
0xc: {  	[smem:$0x3FA4] =	sst s4  }
0xd: {  	[smem:$0x3FA5] =	sst s5  }
0xe: {  	[smem:$0x3FA6] =	sst s6  }
0xf: {  	[smem:$0x3FA7] =	sst s7  }
0x10: {  	[smem:$0x3FA8] =	sst s8  }
0x11: {  	[smem:$0x3FA9] =	sst s9;
	s0 =	simm.s32 @!p0 $0x0  }
0x12: {  	s1 =	sld [smem:$0x3F8F];
	s0 =	simm.s32 @p0 $0x1  }
0x13: {  	[smem:$0x3FAA] =	sst s0;
	s0 =	simm.s32 @!p1 $0x0  }
0x14: {  	s2 =	sld [smem:$0x3F8E];
	s0 =	simm.s32 @p1 $0x1  }
0x15: {  	[smem:$0x3FAB] =	sst s0;
	s0 =	simm.s32 @!p2 $0x0  }
0x16: {  	s3 =	sld [smem:$0x3FDB];
	s0 =	simm.s32 @p2 $0x1  }
0x17: {  	s4 =	simm.s32 $0x1BF5;
	[smem:$0x3FAD] =	sst s0  }
0x18: {  	s0 =	sld [smem:$0x3F90];
	_ =	swait.ge [sflag:s4], $0x0  }
0x19: {  	s7 =	sld [smem:$0x3F91]  }
0x1a: {  	s8 =	sadd.s32 $0xFFFFE003, lr  }
0x1b: {  	s9 =	sadd.s32 $0xFFFFFEF7, lr;
	s5 =	simm.s32 $0xFFFFFFFF;
	p2 =	slt.u32 s8, $0xFFFFF086  }
0x1c: {  	p1 =	slt.u32 s9, $0xF7A;
	s5 =	simm.s32 @!p2 $0x0  }
0x1d: {  	s5 =	simm.s32 @p1 $0x1;
	p0 =	seq.s32 s7, s2  }
0x1e: {  	s7 =	smul.u32 @!p0 $0xF7A, s2;
	p2 =	seq.s32 @!p0 s5, $0x0  }
0x1f: {  	s9 =	smul.u32 $0xF7A, s1;
	s8 =	simm.s32 @!p0 $0x1BF5;
	p2 =	por !p2, p0  }
0x20: {  	[sflag:s8] =	ssyncset.s32 @!p0 $0xFFFFF086;
	s6 =	sadd.s32 @!p0 s3, s7;
	s7 =	simm.s32 @!p0 $0x108  }
0x21: {  	s3 =	sadd.s32 s3, s9;
	s6 =	sadd.s32 @!p0 $0x88, s6;
	s7 =	simm.s32 @p2 $0x1082  }
0x22: {  	[simem:s7], [sflag:s8] =	dma.local @!p0 [hbm:s6], $0xF7A  }
0x23: {  	s9 =	sor.u32 $0xD0000000, s2;
	s6 =	simm.s32 $0x108;
	_ =	swait.ge @!p0 [sflag:s8], $0x0  }
0x24: {  	s3 =	sadd.s32 $0x88, s3;
	s6 =	simm.s32 @!p1 $0x1082;
	[sflag:s4] =	ssyncset.s32 $0xFFFFF086  }
0x25: {  	[simem:s6], [sflag:s4] =	dma.local [hbm:s3], $0xF7A  }
0x26: {  	[smem:$0x3F91] =	sst s1;
	(tag) =	ssettag s2;
	_ =	strace s9  }
0x27: {  	s1 =	sld [smem:$0x3FA1]  }
0x28: {  	s2 =	sld [smem:$0x3FA2]  }
0x29: {  	s4 =	sld [smem:$0x3FA4]  }
0x2a: {  	p0 =	seq.s32 s5, $0x0;
	s5 =	sld [smem:$0x3FA5]  }
0x2b: {  	s6 =	sld [smem:$0x3FA6]  }
0x2c: {  	s7 =	sld [smem:$0x3FA7]  }
0x2d: {  	s3 =	simm.s32 $0x108;
	s8 =	sld [smem:$0x3FA8]  }
0x2e: {  	s3 =	simm.s32 @!p0 $0x1082;
	s9 =	sld [smem:$0x3FA9]  }
0x2f: {  	lr =	sadd.s32 s0, s3;
	s0 =	sld [smem:$0x3FA0]  }
0x30: {  	s3 =	sld [smem:$0x3FA3]  }
0x31: {  	[smem:$0x3FAC] =	sst s10  }
0x32: {  	s10 =	sld [smem:$0x3FAA];
	_ =	sdelay $0x3  }
0x33: {  	p0 =	seq.s32 s10, $0x1;
	s10 =	sld [smem:$0x3FAC];
	_ =	sdelay $0x3  }
0x34: {  	[smem:$0x3FAC] =	sst s10  }
0x35: {  	s10 =	sld [smem:$0x3FAB];
	_ =	sdelay $0x3  }
0x36: {  	p1 =	seq.s32 s10, $0x1;
	s10 =	sld [smem:$0x3FAC];
	_ =	sdelay $0x3  }
0x37: {  	[smem:$0x3FAC] =	sst s10  }
0x38: {  	s10 =	sld [smem:$0x3FAD]  }
0x39: {  	_ = 	snop;
	(pc) =	sbr.ind lr, $3  }
0x3a: {  	_ = 	snop  }
0x3b: {  	_ = 	snop  }
0x3c: {  	p2 =	seq.s32 s10, $0x1;
	s10 =	sld [smem:$0x3FAC]  }
0x3d: {  	_ =	shalt  }
0x3e: {  	_ =	shalt  }
0x3f: {  	_ =	shalt  }
0x40: {  	_ =	shalt  }
0x41: {  	_ =	shalt  }
0x42: {  	_ =	shalt  }
0x43: {  	_ =	shalt  }
0x44: {  	_ =	shalt  }
0x45: {  	_ =	shalt  }
0x46: {  	_ =	shalt  }
0x47: {  	_ =	shalt  }
0x48: {  	_ =	shalt  }
0x49: {  	_ =	shalt  }
0x4a: {  	_ =	shalt  }
0x4b: {  	_ =	shalt  }
0x4c: {  	_ =	shalt  }
0x4d: {  	_ =	shalt  }
0x4e: {  	_ =	shalt  }
0x4f: {  	_ =	shalt  }
0x50: {  	_ =	shalt  }
0x51: {  	_ =	shalt  }
0x52: {  	_ =	shalt  }
0x53: {  	_ =	shalt  }
0x54: {  	_ =	shalt  }
0x55: {  	_ =	shalt  }
0x56: {  	_ =	shalt  }
0x57: {  	_ =	shalt  }
0x58: {  	_ =	shalt  }
0x59: {  	_ =	shalt  }
0x5a: {  	_ =	shalt  }
0x5b: {  	_ =	shalt  }
0x5c: {  	_ =	shalt  }
0x5d: {  	_ =	shalt  }
0x5e: {  	_ =	shalt  }
0x5f: {  	_ =	shalt  }
0x60: {  	_ =	shalt  }
0x61: {  	_ =	shalt  }
0x62: {  	_ =	shalt  }
0x63: {  	_ =	shalt  }
0x64: {  	_ =	shalt  }
0x65: {  	_ =	shalt  }
0x66: {  	_ =	shalt  }
0x67: {  	_ =	shalt  }
0x68: {  	_ =	shalt  }
0x69: {  	_ =	shalt  }
0x6a: {  	_ =	shalt  }
0x6b: {  	_ =	shalt  }
0x6c: {  	_ =	shalt  }
0x6d: {  	_ =	shalt  }
0x6e: {  	_ =	shalt  }
0x6f: {  	_ =	shalt  }
0x70: {  	_ =	shalt  }
0x71: {  	_ =	shalt  }
0x72: {  	_ =	shalt  }
0x73: {  	_ =	shalt  }
0x74: {  	_ =	shalt  }
0x75: {  	_ =	shalt  }
0x76: {  	_ =	shalt  }
0x77: {  	_ =	shalt  }
0x78: {  	_ =	shalt  }
0x79: {  	_ =	shalt  }
0x7a: {  	_ =	shalt  }
0x7b: {  	_ =	shalt  }
0x7c: {  	_ =	shalt  }
0x7d: {  	_ =	shalt  }
0x7e: {  	_ =	shalt  }
0x7f: {  	_ =	shalt  }
0x80: {  	_ =	shalt  }
0x81: {  	_ =	shalt  }
0x82: {  	_ =	shalt  }
0x83: {  	_ =	shalt  }
0x84: {  	_ =	shalt  }
0x85: {  	_ =	shalt  }
0x86: {  	_ =	shalt  }
0x87: {  	_ =	shalt  }
.Lfunc_end0:
.L_simem_size_0:
called_computation.3_lowered:
.L_overlay_start_0:
0x88: {  	s2 =	sld [smem:$0x3FD9]  }
0x89: {  	s3 =	sld [smem:$0x3FFE];
	_ =	sdelay $0x1  }
0x8a: {  	s1 =	srdreg.scid  }
0x8b: {  	s0 =	sand.u32 $0x1, s1  }
0x8c: {  	s16 =	sshll.u32 s0, $0xA;
	s2 =	sadd.s32 s3, s2  }
0x8d: {  	s2 =	sadd.s32 s2, s16  }
0x8e: {  	[smem:$0x3FB8] =	sst s2  }
0x8f: {  	_ = 	snop  }
0x90: {  	(tm) =	ssettm $0x1  }
0x91: {  	s17 =	sld [smem:$0x3FFB];
	_ =	sdelay $0x3  }
0x92: {  	_ =	strace s17  }
0x93: {  	s2 =	sld [smem:$0x3FFC];
	_ =	sdelay $0x3  }
0x94: {  	_ =	strace s2  }
0x95: {  	s2 =	sld [smem:$0x3FFD];
	_ =	sdelay $0x3  }
0x96: {  	_ =	strace s2  }
0x97: {  	_ =	strace $0x8FFFFFFF  }
0x98: {  	s18 =	sld [smem:$0x3FDB];
	_ =	sdelay $0x1  }
0x99: {  	s19 =	simm.s32 $_scs_section_size  }
0x9a: {  	s4 =	simm.s32 $_size__tile_overlayer_lowered;
	s5 =	simm.s32 $_tile_overlayer_lowered  }
0x9b: {  	s22 =	simm.s32 $0x1BFF;
	s21 =	sshll.u32 s5, $0x1;
	s2 =	sadd.s32 s19, s18  }
0x9c: {  	s6 =	simm.s32 $0x0;
	s20 =	sshll.u32 s4, $0x1;
	s4 =	sadd.s32 s21, s2  }
0x9d: {  	[timem:s6], [sflag:s22] =	dma.local [hbm:s4], s20  }
0x9e: {  	_ =	swait.ge [sflag:s22], s20  }
0x9f: {  	s3 =	ssub.s32 $0x0, s20;
	[sflag:s22] =	ssyncset.done $0x0  }
0xa0: {  	[sflag:s22] =	ssyncadd.s32 s3;
	_ =	sdelay $0x1  }
0xa1: {  	s23 =	simm.s32 $0x1B8B  }
0xa2: {  	_ =	swait.ge [sflag:s23], $0x1  }
0xa3: {  	[sflag:s23] =	ssyncset.done $0x0  }
0xa4: {  	s25 =	simm.s32 $0x1B8E;
	s24 =	sld [smem:$0x3FFE];
	[sflag:s23] =	ssyncadd.s32 $0xFFFFFFFF  }
0xa5: {  	s26 =	simm.s32 $execute0_lowered;
	[smem:$0x3FD2] =	sst s25  }
0xa6: {  	s4 =	sshll.u32 s26, $0x1;
	_ =	strace $0x8000004F;
	[dreg:$0x1] =	wrdreg $0xFFFFFFFF  }
0xa7: {  	s28 =	simm.s32 $_size_execute0_lowered;
	s2 =	sadd.s32 s2, s4;
	[dreg:$0x0] =	wrdreg $0x0  }
0xa8: {  	s4 =	sshll.u32 s28, $0x1;
	[dreg:$0x2] =	wrdreg s2  }
0xa9: {  	[dreg:$0x3] =	wrdreg s4  }
0xaa: {  	[dreg:$0x4] =	wrdreg $0xC0  }
0xab: {  	_ =	task [dreg:s6], $0x5FFFF  }
0xac: {  	[dreg:$0x1] =	wrdreg $0xFFFFFFFF  }
0xad: {  	[dreg:$0x0] =	wrdreg $0x60  }
0xae: {  	[dreg:$0x2] =	wrdreg s24  }
0xaf: {  	[dreg:$0x3] =	wrdreg $0x41000  }
0xb0: {  	[dreg:$0x4] =	wrdreg $0x9  }
0xb1: {  	_ =	task.clear_ibuf [dreg:s6], $0x5FFFF;
	_ =	strace $0x9000004F  }
0xb2: {  	s29 =	simm.s32 $0x9;
	_ =	strace $0x80000051  }
0xb3: {  	_ =	swait.ge [sflag:s29], $0x1  }
0xb4: {  	[sflag:s29] =	ssyncadd.s32 $0xFFFFFFFF  }
0xb5: {  	_ =	strace $0x90000051  }
0xb6: {  	_ =	sfence  }
0xb7: {  	s30 =	sld [smem:$0x0];
	_ =	sdelay $0x2  }
0xb8: {  	s31 =	sshll.u32 s1, $0xD;
	s1 =	sshrl.u32 s1, $0x2  }
0xb9: {  	s3 =	sand.u32 $0x4000, s31;
	s1 =	sadd.s32 s1, s30  }
0xba: {  	s0 =	sor.u32 s3, s0;
	s1 =	sshll.u32 s1, $0x11  }
0xbb: {  	s0 =	sor.u32 s1, s0  }
0xbc: {  	s0 =	sadd.s32 $0x8F2B, s0  }
0xbd: {  	[sflag:s0] =	ssyncadd.remote.s32 $0x1  }
0xbe: {  	_ =	sfence.sel $0xFFFF  }
0xbf: {  	[dreg:$0x0] =	wrdreg $0xFFFFFFFF;
	(pc) =	sbr.abs _section_cstart, $3  }
0xc0: {  	[dreg:$0x1] =	wrdreg $0xFFFFFFFF  }
0xc1: {  	_ =	task.clear_ibuf [dreg:s6], $0x2FFFF;
	_ =	strace $0x9FFFFFFF  }
0xc2: {  	(tm) =	ssettm $0x7FFFFFFF  }
0xc3: {  	_ =	shalt  }
tec
execute0_lowered:
.L_overlay_start_1:
0x0: {  	(tag) =	ssettag $0x1  }
0x1: {  	s5 =	rddreg [dreg:$0x0]  }
0x2: {  	s2 =	rddreg [dreg:$0x1]  }
0x3: {  	s0 =	rddreg [dreg:$0x2];
	s1 =	stileid.u32  }
0x4: {  	s4 =	srdreg.scid;
	s3 =	simm.s32 $0x0;
	s12 =	simm.s32 $0x2  }
0x5: {  	s13 =	simm.s32 $0x80;
	s14 =	simm.s32 $0x100;
	s6 =	smul.u32 $0x1400, s1  }
0x6: {  	s15 =	simm.s32 $0x1;
	s16 =	simm.s32 $0x0;
	s7 =	smul.u32 $0x14000, s1  }
0x7: {  	s8 =	sand.u32 $0x1, s4;
	[smem:$0x7FF] =	sst s3;
	s11 =	smul.u32 $0x50000, s1  }
0x8: {  	s4 =	sadd.s32 $0x41A00, s5;
	s31 =	sshll.u32 s1, $0x6;
	s9 =	smul.u32 $0x140000, s8  }
0x9: {  	_ =	strace $0x80000050;
	s28 =	ssub.s32 $0x2, s8;
	s8 =	smul.u32 $0xA00, s8  }
0xa: {  	s10 =	sadd.s32 s6, s5;
	s26 =	sshrl.u32 s7, $0x3;
	s29 =	sshrl.u32 s28, $0x1  }
0xb: {  	s30 =	sshrl.u32 s11, $0x2;
	s7 =	sadd.s32 s7, s9;
	s6 =	sadd.s32 s26, s5  }
0xc: {  	s9 =	ssub.s32 s28, s29;
	s11 =	sadd.s32 s30, s2;
	s10 =	sadd.s32 s8, s10  }
0xd: {  	s7 =	sshrl.u32 s7, $0x3;
	s8 =	smax.u32 s9, $0x1;
	s9 =	sadd.s32 $0x19A00, s10  }
0xe: {  	s10 =	sadd.s32 $0x2DA00, s10;
	s11 =	sshrl.u32 s11, $0x3;
	s7 =	sadd.s32 s7, s5  }
0xf: {  	s5 =	sadd.s32 $0x91A00, s6;
	s6 =	sor.u32 $0x1C02, s31;
	s7 =	sadd.s32 $0x109A00, s7  }
.LBB2_1:
0x10: {  	[spmem:s11], [sflag:s6] =	dma.local [hbm:s5], $0x2800  }
0x11: {  	_ =	swait.ge [sflag:s12], $0x2800  }
0x12: {  	[sflag:s12] =	ssyncset.done $0x0  }
0x13: {  	[sflag:s12] =	ssyncadd.s32 $0xFFFFD800  }
0x14: {  	s17 =	sadd.s32 $0x0, s10;
	[bflag:$0x0] =	sbarrier.arrive $0xFFFF  }
0x15: {  	[tilespmem:s3], [sflag:$0x2] =	stream.linear.gather [hbm4b:s17+s3], $0x80, $0x38;
	[tilespmem:$0x18100] =	vst v63  }
0x16: {  	_ =	swait.ge [sflag:s12], $0x80  }
0x17: {  	[sflag:s12] =	ssyncset.done $0x0  }
0x18: {  	s31 =	sadd.s32 $0x0, s9;
	[sflag:s12] =	ssyncadd.s32 $0xFFFFFF80  }
0x19: {  	[tilespmem:s13], [sflag:$0x2] =	stream.linear.gather [hbm4b:s31+s3], $0x80, $0x38;
	[tilespmem:$0x18100] =	vst v63  }
0x1a: {  	_ =	swait.ge [sflag:s12], $0x80  }
0x1b: {  	[sflag:s12] =	ssyncset.done $0x0  }
0x1c: {  	[sflag:s12] =	ssyncadd.s32 $0xFFFFFF80  }
0x1d: {  	[tilespmem:s14], [sflag:$0x1] =	stream.indirect.gather [hbm4b:s4+s13], $0x80, s3, s13, $0xb8;
	[tilespmem:$0x18100] =	vst v63  }
0x1e: {  	_ =	swait.ge [sflag:s15], $0x4000  }
0x1f: {  	[sflag:s15] =	ssyncset.done $0x0  }
0x20: {  	[sflag:s15] =	ssyncadd.s32 $0xFFFFC000  }
0x21: {  	[spmem:s2] =	stream.indirect.scatter.add.f32 [tilespmem:s14], [sflag:$0x2], $0x80, s13, s13, $0xb8;
	[tilespmem:$0x18100] =	vst v63  }
0x22: {  	_ =	swait.ge [sflag:s12], $0x4000  }
0x23: {  	s18 =	simm.s32 $0x20;
	s17 =	simm.s32 $0x10;
	[sflag:s12] =	ssyncset.done $0x0  }
.LBB2_2:
0x24: {  	s19 =	sadd.s32 s17, s10  }
0x25: {  	[sflag:s12] =	ssyncadd.s32 $0xFFFFC000;
	s20 =	smov.u32 s18;
	s21 =	sadd.s32 $0x10, s18  }
0x26: {  	[tilespmem:s3], [sflag:$0x2] =	stream.linear.gather [hbm4b:s19+s3], $0x80, $0x38;
	[tilespmem:$0x18100] =	vst v63  }
0x27: {  	p0 =	sne.s32 s18, $0x9F0;
	_ =	swait.ge [sflag:s12], $0x80  }
0x28: {  	[sflag:s12] =	ssyncset.done $0x0  }
0x29: {  	s18 =	sadd.s32 s17, s9;
	s17 =	smov.u32 s20;
	[sflag:s12] =	ssyncadd.s32 $0xFFFFFF80  }
0x2a: {  	[tilespmem:s13], [sflag:$0x2] =	stream.linear.gather [hbm4b:s18+s3], $0x80, $0x38;
	[tilespmem:$0x18100] =	vst v63  }
0x2b: {  	_ =	swait.ge [sflag:s12], $0x80  }
0x2c: {  	[sflag:s12] =	ssyncset.done $0x0  }
0x2d: {  	[sflag:s12] =	ssyncadd.s32 $0xFFFFFF80  }
0x2e: {  	[tilespmem:s14], [sflag:$0x1] =	stream.indirect.gather [hbm4b:s4+s13], $0x80, s3, s13, $0xb8;
	[tilespmem:$0x18100] =	vst v63  }
0x2f: {  	_ =	swait.ge [sflag:s15], $0x4000  }
.Ltmp0:
0x30: {  	[sflag:s15] =	ssyncset.done $0x0;
	(pc) =	sbr.rel @p0 .LBB2_2-.Ltmp0, $4  }
0x31: {  	[sflag:s15] =	ssyncadd.s32 $0xFFFFC000  }
0x32: {  	[spmem:s2] =	stream.indirect.scatter.add.f32 [tilespmem:s14], [sflag:$0x2], $0x80, s13, s13, $0xb8;
	[tilespmem:$0x18100] =	vst v63  }
0x33: {  	_ =	swait.ge [sflag:s12], $0x4000  }
0x34: {  	s18 =	smov.u32 s21;
	[sflag:s12] =	ssyncset.done $0x0  }
0x35: {  	s18 =	sadd.s32 s17, s10;
	[sflag:s12] =	ssyncadd.s32 $0xFFFFC000  }
0x36: {  	[tilespmem:s3], [sflag:$0x2] =	stream.linear.gather [hbm4b:s18+s3], $0x80, $0x38;
	[tilespmem:$0x18100] =	vst v63  }
0x37: {  	_ =	swait.ge [sflag:s12], $0x80  }
0x38: {  	[sflag:s12] =	ssyncset.done $0x0  }
0x39: {  	s31 =	sadd.s32 s17, s9;
	[sflag:s12] =	ssyncadd.s32 $0xFFFFFF80  }
0x3a: {  	[tilespmem:s13], [sflag:$0x2] =	stream.linear.gather [hbm4b:s31+s3], $0x80, $0x38;
	[tilespmem:$0x18100] =	vst v63  }
0x3b: {  	_ =	swait.ge [sflag:s12], $0x80  }
0x3c: {  	[sflag:s12] =	ssyncset.done $0x0  }
0x3d: {  	[sflag:s12] =	ssyncadd.s32 $0xFFFFFF80  }
0x3e: {  	[tilespmem:s14], [sflag:$0x1] =	stream.indirect.gather [hbm4b:s4+s13], $0x80, s3, s13, $0xb8;
	[tilespmem:$0x18100] =	vst v63  }
0x3f: {  	_ =	swait.ge [sflag:s15], $0x4000  }
0x40: {  	[sflag:s15] =	ssyncset.done $0x0  }
0x41: {  	[sflag:s15] =	ssyncadd.s32 $0xFFFFC000  }
0x42: {  	[spmem:s2] =	stream.indirect.scatter.add.f32 [tilespmem:s14], [sflag:$0x2], $0x80, s13, s13, $0xb8;
	[tilespmem:$0x18100] =	vst v63  }
0x43: {  	_ =	swait.ge [sflag:s12], $0x4000  }
0x44: {  	s16 =	sadd.s32 $0x1, s16;
	[sflag:s12] =	ssyncset.done $0x0  }
0x45: {  	p0 =	sne.s32 s16, s8;
	[sflag:s12] =	ssyncadd.s32 $0xFFFFC000  }
.Ltmp1:
0x46: {  	[bflag:$0x0] =	sbarrier.arrive $0xFFFF;
	(pc) =	sbr.rel @p0 .LBB2_1-.Ltmp1, $4  }
0x47: {  	[hbm:s7], [sflag:s6] =	dma.local [spmem:s11], $0x2800  }
0x48: {  	_ =	swait.ge [sflag:s12], $0x2800  }
0x49: {  	[sflag:s12] =	ssyncset.done $0x0  }
0x4a: {  	[sflag:s12] =	ssyncadd.s32 $0xFFFFD800  }
0x4b: {  	_ =	sfence.sel $0x180000  }
0x4c: {  	[bflag:$0x0] =	sbarrier.arrive $0xFFFF  }
0x4d: {  	p0 =	sne.s32 s1, $0x0;
	_ =	strace $0x90000050  }
0x4e: {  	s0 =	sadd.s32 @!p0 $0x100000, s0;
	[bflag:$0x2] =	sbarrier.arrive $0xFFFF  }
0x4f: {  	[sflag:s0] =	ssyncadd.tile.s32 @!p0 $0x1;
	_ =	shalt  }
.Lfunc_end2:
_tile_overlayer_lowered:
.L_overlay_start_2:
0x50: {  	(tag) =	ssettag $0x2  }
0x51: {  	s0 =	rddreg [dreg:$0x0];
	s2 =	stileid.u32  }
0x52: {  	s1 =	rddreg [dreg:$0x1];
	p0 =	sne.s32 s2, $0x0  }
0x53: {  	s3 =	rddreg [dreg:$0x2];
	[bflag:$0x3] =	sbarrier.arrive $0xFFFF;
	s2 =	simm.s32 @!p0 $0x1C02  }
0x54: {  	[timem:s3], [sflag:s2] =	dma.local @!p0 [hbm:s0], s1  }
0x55: {  	s0 =	simm.s32 @!p0 $0x2  }
0x56: {  	_ =	swait.ge @!p0 [sflag:s0], s1  }
0x57: {  	s1 =	ssub.s32 @!p0 $0x0, s1;
	[sflag:s0] =	ssyncset.done @!p0 $0x0  }
0x58: {  	[sflag:s0] =	ssyncadd.s32 @!p0 s1  }
0x59: {  	[bflag:$0x3] =	sbarrier.arrive $0xFFFF  }
0x5a: {  	_ =	shalt  }

// kernel: kernel.25.cloned.1.call-start
scs
__scs_entry_jumppad:
0x0: {  	(pc) =	sbr.rel $0x88, $3  }
0x1: {  	(tag) =	ssettag $0x0;
	lr =	simm.s32 $0x1  }
0x2: {  	[smem:$0x3F91] =	sst lr;
	_ =	strace $0xD0000000  }
0x3: {  	_ = 	snop  }
0x4: {  	_ = 	snop  }
0x5: {  	_ = 	snop  }
0x6: {  	_ = 	snop  }
0x7: {  	_ = 	snop  }
__scs_overlays_trampoline_lowered:
0x8: {  	[smem:$0x3FA0] =	sst s0  }
0x9: {  	[smem:$0x3FA1] =	sst s1  }
0xa: {  	[smem:$0x3FA2] =	sst s2  }
0xb: {  	[smem:$0x3FA3] =	sst s3  }
0xc: {  	[smem:$0x3FA4] =	sst s4  }
0xd: {  	[smem:$0x3FA5] =	sst s5  }
0xe: {  	[smem:$0x3FA6] =	sst s6  }
0xf: {  	[smem:$0x3FA7] =	sst s7  }
0x10: {  	[smem:$0x3FA8] =	sst s8  }
0x11: {  	[smem:$0x3FA9] =	sst s9;
	s0 =	simm.s32 @!p0 $0x0  }
0x12: {  	s1 =	sld [smem:$0x3F8F];
	s0 =	simm.s32 @p0 $0x1  }
0x13: {  	[smem:$0x3FAA] =	sst s0;
	s0 =	simm.s32 @!p1 $0x0  }
0x14: {  	s2 =	sld [smem:$0x3F8E];
	s0 =	simm.s32 @p1 $0x1  }
0x15: {  	[smem:$0x3FAB] =	sst s0;
	s0 =	simm.s32 @!p2 $0x0  }
0x16: {  	s3 =	sld [smem:$0x3FDB];
	s0 =	simm.s32 @p2 $0x1  }
0x17: {  	s4 =	simm.s32 $0x1BF5;
	[smem:$0x3FAD] =	sst s0  }
0x18: {  	s0 =	sld [smem:$0x3F90];
	_ =	swait.ge [sflag:s4], $0x0  }
0x19: {  	s7 =	sld [smem:$0x3F91]  }
0x1a: {  	s8 =	sadd.s32 $0xFFFFE003, lr  }
0x1b: {  	s9 =	sadd.s32 $0xFFFFFEF7, lr;
	s5 =	simm.s32 $0xFFFFFFFF;
	p2 =	slt.u32 s8, $0xFFFFF086  }
0x1c: {  	p1 =	slt.u32 s9, $0xF7A;
	s5 =	simm.s32 @!p2 $0x0  }
0x1d: {  	s5 =	simm.s32 @p1 $0x1;
	p0 =	seq.s32 s7, s2  }
0x1e: {  	s7 =	smul.u32 @!p0 $0xF7A, s2;
	p2 =	seq.s32 @!p0 s5, $0x0  }
0x1f: {  	s9 =	smul.u32 $0xF7A, s1;
	s8 =	simm.s32 @!p0 $0x1BF5;
	p2 =	por !p2, p0  }
0x20: {  	[sflag:s8] =	ssyncset.s32 @!p0 $0xFFFFF086;
	s6 =	sadd.s32 @!p0 s3, s7;
	s7 =	simm.s32 @!p0 $0x108  }
0x21: {  	s3 =	sadd.s32 s3, s9;
	s6 =	sadd.s32 @!p0 $0x88, s6;
	s7 =	simm.s32 @p2 $0x1082  }
0x22: {  	[simem:s7], [sflag:s8] =	dma.local @!p0 [hbm:s6], $0xF7A  }
0x23: {  	s9 =	sor.u32 $0xD0000000, s2;
	s6 =	simm.s32 $0x108;
	_ =	swait.ge @!p0 [sflag:s8], $0x0  }
0x24: {  	s3 =	sadd.s32 $0x88, s3;
	s6 =	simm.s32 @!p1 $0x1082;
	[sflag:s4] =	ssyncset.s32 $0xFFFFF086  }
0x25: {  	[simem:s6], [sflag:s4] =	dma.local [hbm:s3], $0xF7A  }
0x26: {  	[smem:$0x3F91] =	sst s1;
	(tag) =	ssettag s2;
	_ =	strace s9  }
0x27: {  	s1 =	sld [smem:$0x3FA1]  }
0x28: {  	s2 =	sld [smem:$0x3FA2]  }
0x29: {  	s4 =	sld [smem:$0x3FA4]  }
0x2a: {  	p0 =	seq.s32 s5, $0x0;
	s5 =	sld [smem:$0x3FA5]  }
0x2b: {  	s6 =	sld [smem:$0x3FA6]  }
0x2c: {  	s7 =	sld [smem:$0x3FA7]  }
0x2d: {  	s3 =	simm.s32 $0x108;
	s8 =	sld [smem:$0x3FA8]  }
0x2e: {  	s3 =	simm.s32 @!p0 $0x1082;
	s9 =	sld [smem:$0x3FA9]  }
0x2f: {  	lr =	sadd.s32 s0, s3;
	s0 =	sld [smem:$0x3FA0]  }
0x30: {  	s3 =	sld [smem:$0x3FA3]  }
0x31: {  	[smem:$0x3FAC] =	sst s10  }
0x32: {  	s10 =	sld [smem:$0x3FAA];
	_ =	sdelay $0x3  }
0x33: {  	p0 =	seq.s32 s10, $0x1;
	s10 =	sld [smem:$0x3FAC];
	_ =	sdelay $0x3  }
0x34: {  	[smem:$0x3FAC] =	sst s10  }
0x35: {  	s10 =	sld [smem:$0x3FAB];
	_ =	sdelay $0x3  }
0x36: {  	p1 =	seq.s32 s10, $0x1;
	s10 =	sld [smem:$0x3FAC];
	_ =	sdelay $0x3  }
0x37: {  	[smem:$0x3FAC] =	sst s10  }
0x38: {  	s10 =	sld [smem:$0x3FAD]  }
0x39: {  	_ = 	snop;
	(pc) =	sbr.ind lr, $3  }
0x3a: {  	_ = 	snop  }
0x3b: {  	_ = 	snop  }
0x3c: {  	p2 =	seq.s32 s10, $0x1;
	s10 =	sld [smem:$0x3FAC]  }
0x3d: {  	_ =	shalt  }
0x3e: {  	_ =	shalt  }
0x3f: {  	_ =	shalt  }
0x40: {  	_ =	shalt  }
0x41: {  	_ =	shalt  }
0x42: {  	_ =	shalt  }
0x43: {  	_ =	shalt  }
0x44: {  	_ =	shalt  }
0x45: {  	_ =	shalt  }
0x46: {  	_ =	shalt  }
0x47: {  	_ =	shalt  }
0x48: {  	_ =	shalt  }
0x49: {  	_ =	shalt  }
0x4a: {  	_ =	shalt  }
0x4b: {  	_ =	shalt  }
0x4c: {  	_ =	shalt  }
0x4d: {  	_ =	shalt  }
0x4e: {  	_ =	shalt  }
0x4f: {  	_ =	shalt  }
0x50: {  	_ =	shalt  }
0x51: {  	_ =	shalt  }
0x52: {  	_ =	shalt  }
0x53: {  	_ =	shalt  }
0x54: {  	_ =	shalt  }
0x55: {  	_ =	shalt  }
0x56: {  	_ =	shalt  }
0x57: {  	_ =	shalt  }
0x58: {  	_ =	shalt  }
0x59: {  	_ =	shalt  }
0x5a: {  	_ =	shalt  }
0x5b: {  	_ =	shalt  }
0x5c: {  	_ =	shalt  }
0x5d: {  	_ =	shalt  }
0x5e: {  	_ =	shalt  }
0x5f: {  	_ =	shalt  }
0x60: {  	_ =	shalt  }
0x61: {  	_ =	shalt  }
0x62: {  	_ =	shalt  }
0x63: {  	_ =	shalt  }
0x64: {  	_ =	shalt  }
0x65: {  	_ =	shalt  }
0x66: {  	_ =	shalt  }
0x67: {  	_ =	shalt  }
0x68: {  	_ =	shalt  }
0x69: {  	_ =	shalt  }
0x6a: {  	_ =	shalt  }
0x6b: {  	_ =	shalt  }
0x6c: {  	_ =	shalt  }
0x6d: {  	_ =	shalt  }
0x6e: {  	_ =	shalt  }
0x6f: {  	_ =	shalt  }
0x70: {  	_ =	shalt  }
0x71: {  	_ =	shalt  }
0x72: {  	_ =	shalt  }
0x73: {  	_ =	shalt  }
0x74: {  	_ =	shalt  }
0x75: {  	_ =	shalt  }
0x76: {  	_ =	shalt  }
0x77: {  	_ =	shalt  }
0x78: {  	_ =	shalt  }
0x79: {  	_ =	shalt  }
0x7a: {  	_ =	shalt  }
0x7b: {  	_ =	shalt  }
0x7c: {  	_ =	shalt  }
0x7d: {  	_ =	shalt  }
0x7e: {  	_ =	shalt  }
0x7f: {  	_ =	shalt  }
0x80: {  	_ =	shalt  }
0x81: {  	_ =	shalt  }
0x82: {  	_ =	shalt  }
0x83: {  	_ =	shalt  }
0x84: {  	_ =	shalt  }
0x85: {  	_ =	shalt  }
0x86: {  	_ =	shalt  }
0x87: {  	_ =	shalt  }
.Lfunc_end0:
.L_simem_size_0:
called_computation.4_lowered:
.L_overlay_start_0:
0x88: {  	s2 =	sld [smem:$0x3FD9]  }
0x89: {  	s3 =	sld [smem:$0x3FFE];
	_ =	sdelay $0x1  }
0x8a: {  	s1 =	srdreg.scid  }
0x8b: {  	s0 =	sand.u32 $0x1, s1  }
0x8c: {  	s17 =	sshll.u32 s0, $0xA;
	s2 =	sadd.s32 s3, s2  }
0x8d: {  	s2 =	sadd.s32 s2, s17  }
0x8e: {  	[smem:$0x3FB8] =	sst s2  }
0x8f: {  	_ = 	snop  }
0x90: {  	s2 =	sld [smem:$0x3FD0];
	(tm) =	ssettm $0x1  }
0x91: {  	s18 =	sld [smem:$0x3FFB];
	_ =	sdelay $0x3  }
0x92: {  	_ =	strace s18  }
0x93: {  	s3 =	sld [smem:$0x3FFC];
	_ =	sdelay $0x3  }
0x94: {  	_ =	strace s3  }
0x95: {  	s3 =	sld [smem:$0x3FFD];
	_ =	sdelay $0x3  }
0x96: {  	_ =	strace s3  }
0x97: {  	_ =	strace $0x8FFFFFFF  }
0x98: {  	s19 =	sld [smem:$0x3FDB];
	_ =	sdelay $0x1  }
0x99: {  	s4 =	simm.s32 $_scs_section_size  }
0x9a: {  	s5 =	simm.s32 $_size__tile_overlayer_lowered;
	s6 =	simm.s32 $_tile_overlayer_lowered  }
0x9b: {  	s22 =	simm.s32 $0x1BFF;
	s21 =	sshll.u32 s6, $0x1;
	s3 =	sadd.s32 s4, s19  }
0x9c: {  	s7 =	simm.s32 $0x0;
	s20 =	sshll.u32 s5, $0x1;
	s5 =	sadd.s32 s21, s3  }
0x9d: {  	[timem:s7], [sflag:s22] =	dma.local [hbm:s5], s20  }
0x9e: {  	_ =	swait.ge [sflag:s22], s20  }
0x9f: {  	s4 =	ssub.s32 $0x0, s20;
	[sflag:s22] =	ssyncset.done $0x0  }
0xa0: {  	[sflag:s22] =	ssyncadd.s32 s4;
	_ =	sdelay $0x1  }
0xa1: {  	s23 =	simm.s32 $0x1B8B  }
0xa2: {  	_ =	swait.ge [sflag:s23], $0x1  }
0xa3: {  	[sflag:s23] =	ssyncset.done $0x0  }
0xa4: {  	s25 =	simm.s32 $0x1B8E;
	s24 =	sld [smem:$0x3FFE];
	[sflag:s23] =	ssyncadd.s32 $0xFFFFFFFF  }
0xa5: {  	s26 =	simm.s32 $execute0_lowered;
	[smem:$0x3FD2] =	sst s25  }
0xa6: {  	s5 =	sshll.u32 s26, $0x1;
	_ =	strace $0x80000052;
	[dreg:$0x1] =	wrdreg $0xFFFFFFFF  }
0xa7: {  	s28 =	simm.s32 $_size_execute0_lowered;
	s3 =	sadd.s32 s3, s5;
	[dreg:$0x0] =	wrdreg $0x0  }
0xa8: {  	s5 =	sshll.u32 s28, $0x1;
	[dreg:$0x2] =	wrdreg s3  }
0xa9: {  	[dreg:$0x3] =	wrdreg s5  }
0xaa: {  	[dreg:$0x4] =	wrdreg $0xC0  }
0xab: {  	_ =	task [dreg:s7], $0x5FFFF  }
0xac: {  	[dreg:$0x1] =	wrdreg $0xFFFFFFFF  }
0xad: {  	[dreg:$0x0] =	wrdreg $0x60  }
0xae: {  	[dreg:$0x2] =	wrdreg s24  }
0xaf: {  	[dreg:$0x3] =	wrdreg s2  }
0xb0: {  	[dreg:$0x4] =	wrdreg $0x9  }
0xb1: {  	_ =	task.clear_ibuf [dreg:s7], $0x5FFFF;
	_ =	strace $0x90000052  }
0xb2: {  	s29 =	simm.s32 $0x9;
	_ =	strace $0x80000054  }
0xb3: {  	_ =	swait.ge [sflag:s29], $0x1  }
0xb4: {  	[sflag:s29] =	ssyncadd.s32 $0xFFFFFFFF  }
0xb5: {  	_ =	strace $0x90000054  }
0xb6: {  	_ =	sfence  }
0xb7: {  	s30 =	sld [smem:$0x0];
	_ =	sdelay $0x2  }
0xb8: {  	s31 =	sshll.u32 s1, $0xD;
	s1 =	sshrl.u32 s1, $0x2  }
0xb9: {  	s3 =	sand.u32 $0x4000, s31;
	s1 =	sadd.s32 s1, s30  }
0xba: {  	s0 =	sor.u32 s3, s0;
	s1 =	sshll.u32 s1, $0x11  }
0xbb: {  	s0 =	sor.u32 s1, s0  }
0xbc: {  	s0 =	sadd.s32 $0x8F2B, s0  }
0xbd: {  	[sflag:s0] =	ssyncadd.remote.s32 $0x1  }
0xbe: {  	_ =	sfence.sel $0xFFFF  }
0xbf: {  	[dreg:$0x0] =	wrdreg $0xFFFFFFFF;
	(pc) =	sbr.abs _section_cstart, $3  }
0xc0: {  	[dreg:$0x1] =	wrdreg $0xFFFFFFFF  }
0xc1: {  	_ =	task.clear_ibuf [dreg:s7], $0x2FFFF;
	_ =	strace $0x9FFFFFFF  }
0xc2: {  	(tm) =	ssettm $0x7FFFFFFF  }
0xc3: {  	_ =	shalt  }
tec
execute0_lowered:
.L_overlay_start_1:
0x0: {  	(tag) =	ssettag $0x1  }
0x1: {  	s1 =	srdreg.scid  }
0x2: {  	s0 =	stileid.u32;
	s6 =	sand.u32 $0x1, s1  }
0x3: {  	s5 =	rddreg [dreg:$0x0];
	s30 =	sshll.u32 s0, $0x5;
	s2 =	sshll.u32 s6, $0x4  }
0x4: {  	s9 =	rddreg [dreg:$0x1];
	s7 =	simm.s32 $0x80;
	s10 =	sor.u32 s2, s30  }
0x5: {  	s1 =	rddreg [dreg:$0x2];
	s2 =	simm.s32 $0x0;
	s3 =	sshrl.u32 s10, $0x3  }
0x6: {  	s11 =	ssub.s32 $0x2, s6;
	[smem:$0x7FF] =	sst s2;
	s3 =	sadd.s32 s3, s5  }
0x7: {  	_ =	strace $0x80000053;
	s4 =	sadd.s32 $0x5A00, s3;
	s3 =	simm.s32 $0x2  }
0x8: {  	[tilespmem:s2], [sflag:$0x2] =	stream.linear.gather [hbm4b:s4+s2], $0x10, $0x38;
	[tilespmem:$0x880] =	vst v63  }
0x9: {  	s8 =	simm.s32 $0x1;
	s12 =	sshrl.u32 s11, $0x1;
	_ =	swait.ge [sflag:s3], $0x10  }
0xa: {  	s6 =	simm.s32 $0x10;
	s11 =	ssub.s32 s11, s12;
	[sflag:s3] =	ssyncset.done $0x0  }
0xb: {  	s5 =	sadd.s32 $0x5C00, s5;
	s31 =	smax.u32 s11, $0x1;
	[sflag:s3] =	ssyncadd.s32 $0xFFFFFFF0  }
0xc: {  	[tilespmem:s7], [sflag:$0x1] =	stream.indirect.gather [hbm4b:s5+s6], $0x80, s2, s6, $0xb8;
	[tilespmem:$0x880] =	vst v63  }
0xd: {  	p0 =	sne.s32 s31, $0x1;
	_ =	swait.ge [sflag:s8], $0x800  }
.Ltmp0:
0xe: {  	s10 =	sshll.u32 s10, $0x4;
	[sflag:s8] =	ssyncset.done $0x0;
	(pc) =	sbr.rel @!p0 .LBB2_2-.Ltmp0, $4  }
0xf: {  	s9 =	sadd.s32 s9, s10;
	[sflag:s8] =	ssyncadd.s32 $0xFFFFF800  }
0x10: {  	[hbm4b:s9+s2] =	stream.linear.scatter [tilespmem:s7], [sflag:$0x2], $0x800, $0x38;
	[tilespmem:$0x880] =	vst v63  }
0x11: {  	_ =	swait.ge [sflag:s3], $0x800  }
0x12: {  	s10 =	sadd.s32 $0xFFFFFFFF, s31;
	[sflag:s3] =	ssyncset.done $0x0  }
.LBB2_1:
0x13: {  	p0 =	sne.s32 s10, $0x1;
	s10 =	sadd.s32 $0xFFFFFFFF, s10;
	[sflag:s3] =	ssyncadd.s32 $0xFFFFF800  }
0x14: {  	[tilespmem:s2], [sflag:$0x2] =	stream.linear.gather [hbm4b:s4+s2], $0x10, $0x38;
	[tilespmem:$0x880] =	vst v63  }
0x15: {  	_ =	swait.ge [sflag:s3], $0x10  }
0x16: {  	[sflag:s3] =	ssyncset.done $0x0  }
0x17: {  	[sflag:s3] =	ssyncadd.s32 $0xFFFFFFF0  }
0x18: {  	[tilespmem:s7], [sflag:$0x1] =	stream.indirect.gather [hbm4b:s5+s6], $0x80, s2, s6, $0xb8;
	[tilespmem:$0x880] =	vst v63  }
0x19: {  	_ =	swait.ge [sflag:s8], $0x800  }
.Ltmp1:
0x1a: {  	[sflag:s8] =	ssyncset.done $0x0;
	(pc) =	sbr.rel @p0 .LBB2_1-.Ltmp1, $4  }
0x1b: {  	[sflag:s8] =	ssyncadd.s32 $0xFFFFF800  }
0x1c: {  	[hbm4b:s9+s2] =	stream.linear.scatter [tilespmem:s7], [sflag:$0x2], $0x800, $0x38;
	[tilespmem:$0x880] =	vst v63  }
0x1d: {  	_ =	swait.ge [sflag:s3], $0x800  }
0x1e: {  	[sflag:s3] =	ssyncset.done $0x0  }
.LBB2_2:
0x1f: {  	[sflag:s3] =	ssyncadd.s32 $0xFFFFF800  }
0x20: {  	_ =	sfence.sel $0x180000  }
0x21: {  	[bflag:$0x0] =	sbarrier.arrive $0xFFFF  }
0x22: {  	p0 =	sne.s32 s0, $0x0;
	_ =	strace $0x90000053  }
0x23: {  	s0 =	sadd.s32 @!p0 $0x100000, s1;
	[bflag:$0x2] =	sbarrier.arrive $0xFFFF  }
0x24: {  	[sflag:s0] =	ssyncadd.tile.s32 @!p0 $0x1;
	_ =	shalt  }
.Lfunc_end2:
_tile_overlayer_lowered:
.L_overlay_start_2:
0x25: {  	(tag) =	ssettag $0x2  }
0x26: {  	s0 =	rddreg [dreg:$0x0];
	s2 =	stileid.u32  }
0x27: {  	s1 =	rddreg [dreg:$0x1];
	p0 =	sne.s32 s2, $0x0  }
0x28: {  	s3 =	rddreg [dreg:$0x2];
	[bflag:$0x3] =	sbarrier.arrive $0xFFFF;
	s2 =	simm.s32 @!p0 $0x1C02  }
0x29: {  	[timem:s3], [sflag:s2] =	dma.local @!p0 [hbm:s0], s1  }
0x2a: {  	s0 =	simm.s32 @!p0 $0x2  }
0x2b: {  	_ =	swait.ge @!p0 [sflag:s0], s1  }
0x2c: {  	s1 =	ssub.s32 @!p0 $0x0, s1;
	[sflag:s0] =	ssyncset.done @!p0 $0x0  }
0x2d: {  	[sflag:s0] =	ssyncadd.s32 @!p0 s1  }
0x2e: {  	[bflag:$0x3] =	sbarrier.arrive $0xFFFF  }
0x2f: {  	_ =	shalt  }

</sc_bundles>
